<compile_context>
chip_gen: v7x
topology: tpu7x:2x2x1
jax: 0.10.2.dev20260603
libtpu: 0.0.44.dev20260713+nightly
codegen_flags: <defaults>
</compile_context>

<pallas_src>
import functools

import jax
import jax.numpy as jnp
from jax import lax
from jax.experimental import pallas as pl
from jax.experimental.pallas import tpu as pltpu
from jax.experimental.pallas import tpu_sc as plsc

DIM = 128
BATCH = 1024
SEQ = 200
HALF = SEQ // 2
NCORES = 2
NSUB = 16
NWORKERS = NCORES * NSUB
ROWS_PER_WORKER = BATCH // NWORKERS
LANES = 16
NSLICE = DIM // LANES


def _rsqrt16(v):
    i = lax.bitcast_convert_type(v, jnp.int32)
    i = jnp.int32(0x5F3759DF) - (i >> 1)
    y = lax.bitcast_convert_type(i, jnp.float32)
    for _ in range(3):
        y = y * (1.5 - 0.5 * v * y * y)
    return y


_GATHER_DNUMS = lax.GatherDimensionNumbers(
    offset_dims=(), collapsed_slice_dims=(0,), start_index_map=(0,))


def _shuffle(v, p2):
    return lax.gather(v, p2, _GATHER_DNUMS, (1,),
                      mode=lax.GatherScatterMode.PROMISE_IN_BOUNDS)


def _lane_total(v, perms):
    for p2 in perms:
        v = v + _shuffle(v, p2)
    return v


_mesh = plsc.VectorSubcoreMesh(core_axis_name="c", subcore_axis_name="s")


@functools.partial(
    pl.kernel,
    out_type=jax.ShapeDtypeStruct((BATCH, SEQ, DIM), jnp.float32),
    mesh=_mesh,
    scratch_types=[
        pltpu.VMEM((2, HALF), jnp.int32),
        pltpu.VMEM((2, HALF), jnp.int32),
        pltpu.VMEM((SEQ, DIM), jnp.float32),
        pltpu.VMEM((SEQ, DIM), jnp.float32),
        pltpu.VMEM((SEQ, DIM), jnp.float32),
        pltpu.VMEM((DIM,), jnp.float32),
        pltpu.VMEM((DIM,), jnp.float32),
        pltpu.SemaphoreType.DMA,
        pltpu.SemaphoreType.DMA,
        pltpu.SemaphoreType.DMA,
        pltpu.SemaphoreType.DMA,
    ],
)
def _emb_ln_kernel(ids_hbm, word_hbm, pos_hbm, gamma_hbm, beta_hbm, out_hbm,
                   idx0, idx1, buf0, buf1, pos_v, gamma_v, beta_v,
                   semg0, semg1, sems0, sems1):
    wid = lax.axis_index("s") * NCORES + lax.axis_index("c")
    base = wid * ROWS_PER_WORKER

    pltpu.sync_copy(pos_hbm.at[pl.ds(0, SEQ)], pos_v)
    pltpu.sync_copy(gamma_hbm, gamma_v)
    pltpu.sync_copy(beta_hbm, beta_v)

    iota = lax.iota(jnp.int32, LANES)
    perms = [(iota ^ k).reshape(LANES, 1) for k in (1, 2, 4, 8)]
    gs = [gamma_v[pl.ds(LANES * j, LANES)] for j in range(NSLICE)]
    bs = [beta_v[pl.ds(LANES * j, LANES)] for j in range(NSLICE)]

    def start_gather(idx_v, buf, semg):
        pltpu.async_copy(word_hbm.at[idx_v.at[0]],
                         buf.at[pl.ds(0, HALF)], semg)
        pltpu.async_copy(word_hbm.at[idx_v.at[1]],
                         buf.at[pl.ds(HALF, HALF)], semg)

    def wait_gather(idx_v, buf, semg):
        pltpu.make_async_copy(word_hbm.at[idx_v.at[0]],
                              buf.at[pl.ds(0, HALF)], semg).wait()
        pltpu.make_async_copy(word_hbm.at[idx_v.at[1]],
                              buf.at[pl.ds(HALF, HALF)], semg).wait()

    def compute(buf):
        def row_body(r, rcarry):
            xs = [buf[r, pl.ds(LANES * j, LANES)]
                  + pos_v[r, pl.ds(LANES * j, LANES)]
                  for j in range(NSLICE)]
            s = xs[0]
            q = xs[0] * xs[0]
            for j in range(1, NSLICE):
                s = s + xs[j]
                q = q + xs[j] * xs[j]
            s = _lane_total(s, perms)
            q = _lane_total(q, perms)
            mean = s * (1.0 / DIM)
            var = jnp.maximum(q * (1.0 / DIM) - mean * mean, 0.0)
            rstd = _rsqrt16(var + 1e-12)
            mr = mean * rstd
            for j in range(NSLICE):
                t = xs[j] * rstd - mr
                buf[r, pl.ds(LANES * j, LANES)] = t * gs[j] + bs[j]
            return rcarry

        lax.fori_loop(0, SEQ, row_body, 0)

    def step(i, idxA, bufA, semgA, semsA, idxB, bufB, semgB, semsB):
        b = base + i

        @pl.when(i + 1 < ROWS_PER_WORKER)
        def _():
            pltpu.sync_copy(ids_hbm.at[b + 1], idxB)

            @pl.when(i >= 1)
            def _():
                pltpu.make_async_copy(bufB, out_hbm.at[b - 1], semsB).wait()

            start_gather(idxB, bufB, semgB)

        wait_gather(idxA, bufA, semgA)
        compute(bufA)
        pltpu.async_copy(bufA, out_hbm.at[b], semsA)

    pltpu.sync_copy(ids_hbm.at[base], idx0)
    start_gather(idx0, buf0, semg0)

    def pair_body(k, carry):
        i = 2 * k
        step(i, idx0, buf0, semg0, sems0, idx1, buf1, semg1, sems1)
        step(i + 1, idx1, buf1, semg1, sems1, idx0, buf0, semg0, sems0)
        return carry

    lax.fori_loop(0, ROWS_PER_WORKER // 2, pair_body, 0)

    pltpu.make_async_copy(buf0, out_hbm.at[base + ROWS_PER_WORKER - 2],
                          sems0).wait()
    pltpu.make_async_copy(buf1, out_hbm.at[base + ROWS_PER_WORKER - 1],
                          sems1).wait()


def kernel(input_ids, word_table, pos_table, gamma, beta):
    ids = input_ids.astype(jnp.int32).reshape(BATCH, 2, HALF)
    return _emb_ln_kernel(ids, word_table, pos_table, gamma, beta)

# --- scband reference (transcript-rebuilt; emitter-appended) ---
"""Pipeline reference for scband-embeddings-61495341744166 (READ-ONLY COPY).

The authoritative reference and input builder live on the scoring server;
editing this copy changes nothing except your own understanding.
"""

import jax, jax.numpy as jnp
import numpy as np

VOCAB = 100000
DIM = 128
MAX_POS = 512
B = 1024
S = 200


def setup_inputs(seed: int = 0) -> dict:
    key = jax.random.key(seed)
    k1, k2, k3 = jax.random.split(key, 3)
    input_ids = jax.random.randint(k1, (B, S), 0, VOCAB, dtype=jnp.int64 if jax.config.jax_enable_x64 else jnp.int32)
    word_table = jax.random.normal(k2, (VOCAB, DIM), dtype=jnp.float32) * 0.02
    # padding_idx=0 -> zero row
    word_table = word_table.at[0].set(0.0)
    pos_table = jax.random.normal(k3, (MAX_POS, DIM), dtype=jnp.float32) * 0.02
    gamma = jnp.ones((DIM,), dtype=jnp.float32)
    beta = jnp.zeros((DIM,), dtype=jnp.float32)
    return {"input_ids": input_ids, "word_table": word_table, "pos_table": pos_table, "gamma": gamma, "beta": beta}


def reference(input_ids, word_table, pos_table, gamma, beta):
    seq_len = input_ids.shape[1]
    position_ids = jnp.arange(seq_len, dtype=input_ids.dtype)[None, :]
    position_ids = jnp.broadcast_to(position_ids, input_ids.shape)
    word_emb = jnp.take(word_table, input_ids, axis=0)
    pos_emb = jnp.take(pos_table, position_ids, axis=0)
    emb = word_emb + pos_emb
    # LayerNorm over last dim, eps=1e-12
    mean = jnp.mean(emb, axis=-1, keepdims=True)
    var = jnp.mean(jnp.square(emb - mean), axis=-1, keepdims=True)
    normed = (emb - mean) / jnp.sqrt(var + 1e-12)
    out = normed * gamma + beta
    # dropout is identity in eval mode
    return out

if __name__ == "__main__":
    import jax
    _d = setup_inputs()
    print(jax.jit(kernel)(*tuple(_d.values())))

</pallas_src>

<mosaic_0001>
#map = affine_map<(d0, d1) -> (0, 0, 0)>
#map1 = affine_map<(d0, d1) -> (0, 0)>
#map2 = affine_map<(d0, d1) -> (0)>
module attributes {stable_mosaic.version = 14 : i64} {
  func.func @_emb_ln_kernel(%arg0: i32, %arg1: i32, %arg2: memref<1024x2x100xi32, #tpu.memory_space<hbm>>, %arg3: memref<100000x128xf32, #tpu.memory_space<hbm>>, %arg4: memref<512x128xf32, #tpu.memory_space<hbm>>, %arg5: memref<128xf32, #tpu.memory_space<hbm>>, %arg6: memref<128xf32, #tpu.memory_space<hbm>>, %arg7: memref<1024x200x128xf32, #tpu.memory_space<hbm>>, %arg8: memref<2x100xi32, #tpu.memory_space<vmem>>, %arg9: memref<2x100xi32, #tpu.memory_space<vmem>>, %arg10: memref<200x128xf32, #tpu.memory_space<vmem>>, %arg11: memref<200x128xf32, #tpu.memory_space<vmem>>, %arg12: memref<200x128xf32, #tpu.memory_space<vmem>>, %arg13: memref<128xf32, #tpu.memory_space<vmem>>, %arg14: memref<128xf32, #tpu.memory_space<vmem>>, %arg15: memref<!tpu.dma_semaphore, #tpu.memory_space<semaphore_mem>>, %arg16: memref<!tpu.dma_semaphore, #tpu.memory_space<semaphore_mem>>, %arg17: memref<!tpu.dma_semaphore, #tpu.memory_space<semaphore_mem>>, %arg18: memref<!tpu.dma_semaphore, #tpu.memory_space<semaphore_mem>>) attributes {dimension_semantics = [#tpu.dimension_semantics<core_parallel>, #tpu.dimension_semantics<subcore_parallel>], iteration_bounds = array<i64: 2, 16>, scalar_prefetch = 0 : i64, scratch_operands = 11 : i64, tpu.core_type = #tpu.core_type<sc_vector_subcore>, window_params = [{transform_indices = #map}, {transform_indices = #map1}, {transform_indices = #map1}, {transform_indices = #map2}, {transform_indices = #map2}, {transform_indices = #map}]} {
    %mul3A = arith.constant 2 : i32
    %mul3A_0 = arith.muli %arg1, %mul3A : i32
    %add3A = arith.addi %mul3A_0, %arg0 : i32
    %mul3A_1 = arith.constant 32 : i32
    %mul3A_2 = arith.muli %add3A, %mul3A_1 : i32
    "tpu.region"() ({
      %run_scoped3A = tpu.sem_alloc : memref<!tpu.dma_semaphore, #tpu.memory_space<semaphore_mem>>
      %dma_start3A_110 = arith.constant 0 : i32
      %dma_start3A_111 = arith.constant 0 : i32
      %dma_start3A_112 = tpu.memref_slice %arg4[%dma_start3A_110, %dma_start3A_111] : memref<512x128xf32, #tpu.memory_space<hbm>> -> memref<200x128xf32, #tpu.memory_space<hbm>>
      %dma_start3A_113 = arith.constant 0 : i32
      %dma_start3A_114 = arith.constant 0 : i32
      %dma_start3A_115 = tpu.memref_slice %arg4[%dma_start3A_113, %dma_start3A_114] : memref<512x128xf32, #tpu.memory_space<hbm>> -> memref<200x128xf32, #tpu.memory_space<hbm>>
      tpu.enqueue_dma source(%dma_start3A_115 : memref<200x128xf32, #tpu.memory_space<hbm>>) target(%arg12 : memref<200x128xf32, #tpu.memory_space<vmem>>) target_semaphore(%run_scoped3A : memref<!tpu.dma_semaphore, #tpu.memory_space<semaphore_mem>>)
      %dma_wait3A_116 = arith.constant 0 : i32
      %dma_wait3A_117 = arith.constant 0 : i32
      %dma_wait3A_118 = tpu.memref_slice %arg4[%dma_wait3A_116, %dma_wait3A_117] : memref<512x128xf32, #tpu.memory_space<hbm>> -> memref<200x128xf32, #tpu.memory_space<hbm>>
      %dma_wait3A_119 = arith.constant 0 : i32
      %dma_wait3A_120 = arith.constant 0 : i32
      %dma_wait3A_121 = tpu.memref_slice %arg4[%dma_wait3A_119, %dma_wait3A_120] : memref<512x128xf32, #tpu.memory_space<hbm>> -> memref<200x128xf32, #tpu.memory_space<hbm>>
      tpu.wait_dma2 semaphore(%run_scoped3A : memref<!tpu.dma_semaphore, #tpu.memory_space<semaphore_mem>>) src(%dma_wait3A_121 : memref<200x128xf32, #tpu.memory_space<hbm>>) dst(%arg12 : memref<200x128xf32, #tpu.memory_space<vmem>>)
      tpu.yield
    }) : () -> ()
    "tpu.region"() ({
      %run_scoped3A = tpu.sem_alloc : memref<!tpu.dma_semaphore, #tpu.memory_space<semaphore_mem>>
      tpu.enqueue_dma source(%arg5 : memref<128xf32, #tpu.memory_space<hbm>>) target(%arg13 : memref<128xf32, #tpu.memory_space<vmem>>) target_semaphore(%run_scoped3A : memref<!tpu.dma_semaphore, #tpu.memory_space<semaphore_mem>>)
      tpu.wait_dma2 semaphore(%run_scoped3A : memref<!tpu.dma_semaphore, #tpu.memory_space<semaphore_mem>>) src(%arg5 : memref<128xf32, #tpu.memory_space<hbm>>) dst(%arg13 : memref<128xf32, #tpu.memory_space<vmem>>)
      tpu.yield
    }) : () -> ()
    "tpu.region"() ({
      %run_scoped3A = tpu.sem_alloc : memref<!tpu.dma_semaphore, #tpu.memory_space<semaphore_mem>>
      tpu.enqueue_dma source(%arg6 : memref<128xf32, #tpu.memory_space<hbm>>) target(%arg14 : memref<128xf32, #tpu.memory_space<vmem>>) target_semaphore(%run_scoped3A : memref<!tpu.dma_semaphore, #tpu.memory_space<semaphore_mem>>)
      tpu.wait_dma2 semaphore(%run_scoped3A : memref<!tpu.dma_semaphore, #tpu.memory_space<semaphore_mem>>) src(%arg6 : memref<128xf32, #tpu.memory_space<hbm>>) dst(%arg14 : memref<128xf32, #tpu.memory_space<vmem>>)
      tpu.yield
    }) : () -> ()
    %iota3A = tpu.iota {dimensions = array<i32: 0>} : vector<16xi32>
    %xor3A = arith.constant 1 : i32
    %xor3A_3 = vector.broadcast %xor3A : i32 to vector<16xi32>
    %xor3A_4 = arith.xori %iota3A, %xor3A_3 : vector<16xi32>
    %reshape3A = vector.shape_cast %xor3A_4 : vector<16xi32> to vector<16x1xi32>
    %xor3A_5 = arith.constant 2 : i32
    %xor3A_6 = vector.broadcast %xor3A_5 : i32 to vector<16xi32>
    %xor3A_7 = arith.xori %iota3A, %xor3A_6 : vector<16xi32>
    %reshape3A_8 = vector.shape_cast %xor3A_7 : vector<16xi32> to vector<16x1xi32>
    %xor3A_9 = arith.constant 4 : i32
    %xor3A_10 = vector.broadcast %xor3A_9 : i32 to vector<16xi32>
    %xor3A_11 = arith.xori %iota3A, %xor3A_10 : vector<16xi32>
    %reshape3A_12 = vector.shape_cast %xor3A_11 : vector<16xi32> to vector<16x1xi32>
    %xor3A_13 = arith.constant 8 : i32
    %xor3A_14 = vector.broadcast %xor3A_13 : i32 to vector<16xi32>
    %xor3A_15 = arith.xori %iota3A, %xor3A_14 : vector<16xi32>
    %reshape3A_16 = vector.shape_cast %xor3A_15 : vector<16xi32> to vector<16x1xi32>
    %get3A = arith.constant 0 : index
    %get3A_17 = tpu.vector_load %arg13[%get3A] {strides = array<i32>} : memref<128xf32, #tpu.memory_space<vmem>>, vector<16xf32>,
    %get3A_18 = vector.shape_cast %get3A_17 : vector<16xf32> to vector<16xf32>
    %get3A_19 = arith.constant 16 : index
    %get3A_20 = tpu.vector_load %arg13[%get3A_19] {strides = array<i32>} : memref<128xf32, #tpu.memory_space<vmem>>, vector<16xf32>,
    %get3A_21 = vector.shape_cast %get3A_20 : vector<16xf32> to vector<16xf32>
    %get3A_22 = arith.constant 32 : index
    %get3A_23 = tpu.vector_load %arg13[%get3A_22] {strides = array<i32>} : memref<128xf32, #tpu.memory_space<vmem>>, vector<16xf32>,
    %get3A_24 = vector.shape_cast %get3A_23 : vector<16xf32> to vector<16xf32>
    %get3A_25 = arith.constant 48 : index
    %get3A_26 = tpu.vector_load %arg13[%get3A_25] {strides = array<i32>} : memref<128xf32, #tpu.memory_space<vmem>>, vector<16xf32>,
    %get3A_27 = vector.shape_cast %get3A_26 : vector<16xf32> to vector<16xf32>
    %get3A_28 = arith.constant 64 : index
    %get3A_29 = tpu.vector_load %arg13[%get3A_28] {strides = array<i32>} : memref<128xf32, #tpu.memory_space<vmem>>, vector<16xf32>,
    %get3A_30 = vector.shape_cast %get3A_29 : vector<16xf32> to vector<16xf32>
    %get3A_31 = arith.constant 80 : index
    %get3A_32 = tpu.vector_load %arg13[%get3A_31] {strides = array<i32>} : memref<128xf32, #tpu.memory_space<vmem>>, vector<16xf32>,
    %get3A_33 = vector.shape_cast %get3A_32 : vector<16xf32> to vector<16xf32>
    %get3A_34 = arith.constant 96 : index
    %get3A_35 = tpu.vector_load %arg13[%get3A_34] {strides = array<i32>} : memref<128xf32, #tpu.memory_space<vmem>>, vector<16xf32>,
    %get3A_36 = vector.shape_cast %get3A_35 : vector<16xf32> to vector<16xf32>
    %get3A_37 = arith.constant 112 : index
    %get3A_38 = tpu.vector_load %arg13[%get3A_37] {strides = array<i32>} : memref<128xf32, #tpu.memory_space<vmem>>, vector<16xf32>,
    %get3A_39 = vector.shape_cast %get3A_38 : vector<16xf32> to vector<16xf32>
    %get3A_40 = arith.constant 0 : index
    %get3A_41 = tpu.vector_load %arg14[%get3A_40] {strides = array<i32>} : memref<128xf32, #tpu.memory_space<vmem>>, vector<16xf32>,
    %get3A_42 = vector.shape_cast %get3A_41 : vector<16xf32> to vector<16xf32>
    %get3A_43 = arith.constant 16 : index
    %get3A_44 = tpu.vector_load %arg14[%get3A_43] {strides = array<i32>} : memref<128xf32, #tpu.memory_space<vmem>>, vector<16xf32>,
    %get3A_45 = vector.shape_cast %get3A_44 : vector<16xf32> to vector<16xf32>
    %get3A_46 = arith.constant 32 : index
    %get3A_47 = tpu.vector_load %arg14[%get3A_46] {strides = array<i32>} : memref<128xf32, #tpu.memory_space<vmem>>, vector<16xf32>,
    %get3A_48 = vector.shape_cast %get3A_47 : vector<16xf32> to vector<16xf32>
    %get3A_49 = arith.constant 48 : index
    %get3A_50 = tpu.vector_load %arg14[%get3A_49] {strides = array<i32>} : memref<128xf32, #tpu.memory_space<vmem>>, vector<16xf32>,
    %get3A_51 = vector.shape_cast %get3A_50 : vector<16xf32> to vector<16xf32>
    %get3A_52 = arith.constant 64 : index
    %get3A_53 = tpu.vector_load %arg14[%get3A_52] {strides = array<i32>} : memref<128xf32, #tpu.memory_space<vmem>>, vector<16xf32>,
    %get3A_54 = vector.shape_cast %get3A_53 : vector<16xf32> to vector<16xf32>
    %get3A_55 = arith.constant 80 : index
    %get3A_56 = tpu.vector_load %arg14[%get3A_55] {strides = array<i32>} : memref<128xf32, #tpu.memory_space<vmem>>, vector<16xf32>,
    %get3A_57 = vector.shape_cast %get3A_56 : vector<16xf32> to vector<16xf32>
    %get3A_58 = arith.constant 96 : index
    %get3A_59 = tpu.vector_load %arg14[%get3A_58] {strides = array<i32>} : memref<128xf32, #tpu.memory_space<vmem>>, vector<16xf32>,
    %get3A_60 = vector.shape_cast %get3A_59 : vector<16xf32> to vector<16xf32>
    %get3A_61 = arith.constant 112 : index
    %get3A_62 = tpu.vector_load %arg14[%get3A_61] {strides = array<i32>} : memref<128xf32, #tpu.memory_space<vmem>>, vector<16xf32>,
    %get3A_63 = vector.shape_cast %get3A_62 : vector<16xf32> to vector<16xf32>
    "tpu.region"() ({
      %run_scoped3A = tpu.sem_alloc : memref<!tpu.dma_semaphore, #tpu.memory_space<semaphore_mem>>
      %dma_start3A_110 = arith.constant 0 : i32
      %dma_start3A_111 = arith.constant 0 : i32
      %dma_start3A_112 = tpu.memref_slice %arg2[%mul3A_2, %dma_start3A_110, %dma_start3A_111] : memref<1024x2x100xi32, #tpu.memory_space<hbm>> -> memref<1x2x100xi32, #tpu.memory_space<hbm>>
      %dma_start3A_113 = tpu.memref_squeeze %dma_start3A_112 : memref<1x2x100xi32, #tpu.memory_space<hbm>> -> memref<2x100xi32, #tpu.memory_space<hbm>>
      %dma_start3A_114 = arith.constant 0 : i32
      %dma_start3A_115 = arith.constant 0 : i32
      %dma_start3A_116 = tpu.memref_slice %arg2[%mul3A_2, %dma_start3A_114, %dma_start3A_115] : memref<1024x2x100xi32, #tpu.memory_space<hbm>> -> memref<1x2x100xi32, #tpu.memory_space<hbm>>
      %dma_start3A_117 = tpu.memref_squeeze %dma_start3A_116 : memref<1x2x100xi32, #tpu.memory_space<hbm>> -> memref<2x100xi32, #tpu.memory_space<hbm>>
      tpu.enqueue_dma source(%dma_start3A_117 : memref<2x100xi32, #tpu.memory_space<hbm>>) target(%arg8 : memref<2x100xi32, #tpu.memory_space<vmem>>) target_semaphore(%run_scoped3A : memref<!tpu.dma_semaphore, #tpu.memory_space<semaphore_mem>>)
      %dma_wait3A_118 = arith.constant 0 : i32
      %dma_wait3A_119 = arith.constant 0 : i32
      %dma_wait3A_120 = tpu.memref_slice %arg2[%mul3A_2, %dma_wait3A_118, %dma_wait3A_119] : memref<1024x2x100xi32, #tpu.memory_space<hbm>> -> memref<1x2x100xi32, #tpu.memory_space<hbm>>
      %dma_wait3A_121 = tpu.memref_squeeze %dma_wait3A_120 : memref<1x2x100xi32, #tpu.memory_space<hbm>> -> memref<2x100xi32, #tpu.memory_space<hbm>>
      %dma_wait3A_122 = arith.constant 0 : i32
      %dma_wait3A_123 = arith.constant 0 : i32
      %dma_wait3A_124 = tpu.memref_slice %arg2[%mul3A_2, %dma_wait3A_122, %dma_wait3A_123] : memref<1024x2x100xi32, #tpu.memory_space<hbm>> -> memref<1x2x100xi32, #tpu.memory_space<hbm>>
      %dma_wait3A_125 = tpu.memref_squeeze %dma_wait3A_124 : memref<1x2x100xi32, #tpu.memory_space<hbm>> -> memref<2x100xi32, #tpu.memory_space<hbm>>
      tpu.wait_dma2 semaphore(%run_scoped3A : memref<!tpu.dma_semaphore, #tpu.memory_space<semaphore_mem>>) src(%dma_wait3A_125 : memref<2x100xi32, #tpu.memory_space<hbm>>) dst(%arg8 : memref<2x100xi32, #tpu.memory_space<vmem>>)
      tpu.yield
    }) : () -> ()
    %dma_start3A = arith.constant 0 : i32
    %dma_start3A_64 = arith.constant 0 : i32
    %dma_start3A_65 = arith.constant 0 : i32
    %dma_start3A_66 = tpu.memref_slice %arg10[%dma_start3A_64, %dma_start3A_65] : memref<200x128xf32, #tpu.memory_space<vmem>> -> memref<100x128xf32, #tpu.memory_space<vmem>>
    %dma_start3A_67 = arith.constant 0 : i32
    %dma_start3A_68 = tpu.memref_slice %arg8[%dma_start3A, %dma_start3A_67] : memref<2x100xi32, #tpu.memory_space<vmem>> -> memref<1x100xi32, #tpu.memory_space<vmem>>
    %dma_start3A_69 = tpu.memref_squeeze %dma_start3A_68 : memref<1x100xi32, #tpu.memory_space<vmem>> -> memref<100xi32, #tpu.memory_space<vmem>>
    %dma_start3A_70 = arith.constant 0 : i32
    %dma_start3A_71 = arith.constant 0 : i32
    %dma_start3A_72 = tpu.memref_slice %arg3[%dma_start3A_70, %dma_start3A_71] : memref<100000x128xf32, #tpu.memory_space<hbm>> -> memref<100000x128xf32, #tpu.memory_space<hbm>>
    tpu.enqueue_indirect_dma source(%dma_start3A_72 : memref<100000x128xf32, #tpu.memory_space<hbm>>) target(%dma_start3A_66 : memref<100x128xf32, #tpu.memory_space<vmem>>) offsets(%dma_start3A_69 : memref<100xi32, #tpu.memory_space<vmem>>) semaphore(%arg15 : memref<!tpu.dma_semaphore, #tpu.memory_space<semaphore_mem>>)
    %dma_start3A_73 = arith.constant 1 : i32
    %dma_start3A_74 = arith.constant 100 : i32
    %dma_start3A_75 = arith.constant 0 : i32
    %dma_start3A_76 = tpu.memref_slice %arg10[%dma_start3A_74, %dma_start3A_75] : memref<200x128xf32, #tpu.memory_space<vmem>> -> memref<100x128xf32, #tpu.memory_space<vmem>>
    %dma_start3A_77 = arith.constant 0 : i32
    %dma_start3A_78 = tpu.memref_slice %arg8[%dma_start3A_73, %dma_start3A_77] : memref<2x100xi32, #tpu.memory_space<vmem>> -> memref<1x100xi32, #tpu.memory_space<vmem>>
    %dma_start3A_79 = tpu.memref_squeeze %dma_start3A_78 : memref<1x100xi32, #tpu.memory_space<vmem>> -> memref<100xi32, #tpu.memory_space<vmem>>
    %dma_start3A_80 = arith.constant 0 : i32
    %dma_start3A_81 = arith.constant 0 : i32
    %dma_start3A_82 = tpu.memref_slice %arg3[%dma_start3A_80, %dma_start3A_81] : memref<100000x128xf32, #tpu.memory_space<hbm>> -> memref<100000x128xf32, #tpu.memory_space<hbm>>
    tpu.enqueue_indirect_dma source(%dma_start3A_82 : memref<100000x128xf32, #tpu.memory_space<hbm>>) target(%dma_start3A_76 : memref<100x128xf32, #tpu.memory_space<vmem>>) offsets(%dma_start3A_79 : memref<100xi32, #tpu.memory_space<vmem>>) semaphore(%arg15 : memref<!tpu.dma_semaphore, #tpu.memory_space<semaphore_mem>>)
    %scan3A = arith.constant 0 : i32
    %scan3A_83 = arith.constant 0 : i32
    %scan3A_84 = arith.constant 16 : i32
    %scan3A_85 = arith.addi %scan3A_83, %scan3A_84 : i32
    %scan3A_86 = arith.constant 1 : i32
    scf.for %scan3A_110 = %scan3A_83 to %scan3A_85 step %scan3A_86  : i32 {
      %mul3A_111 = arith.constant 2 : i32
      %mul3A_112 = arith.muli %mul3A_111, %scan3A_110 : i32
      %add3A_113 = arith.addi %mul3A_2, %mul3A_112 : i32
      %add3A_114 = arith.constant 1 : i32
      %add3A_115 = arith.addi %mul3A_112, %add3A_114 : i32
      %lt3A = arith.constant 32 : i32
      %lt3A_116 = arith.cmpi slt, %add3A_115, %lt3A : i32
      %convert_element_type3A = arith.extui %lt3A_116 : i1 to i32
      %cond3A = arith.constant 0 : i32
      %cond3A_117 = arith.cmpi ne, %convert_element_type3A, %cond3A : i32
      scf.if %cond3A_117 {
        %add3A_196 = arith.constant 1 : i32
        %add3A_197 = arith.addi %add3A_113, %add3A_196 : i32
        "tpu.region"() ({
          %run_scoped3A = tpu.sem_alloc : memref<!tpu.dma_semaphore, #tpu.memory_space<semaphore_mem>>
          %dma_start3A_222 = arith.constant 0 : i32
          %dma_start3A_223 = arith.constant 0 : i32
          %dma_start3A_224 = tpu.memref_slice %arg2[%add3A_197, %dma_start3A_222, %dma_start3A_223] : memref<1024x2x100xi32, #tpu.memory_space<hbm>> -> memref<1x2x100xi32, #tpu.memory_space<hbm>>
          %dma_start3A_225 = tpu.memref_squeeze %dma_start3A_224 : memref<1x2x100xi32, #tpu.memory_space<hbm>> -> memref<2x100xi32, #tpu.memory_space<hbm>>
          %dma_start3A_226 = arith.constant 0 : i32
          %dma_start3A_227 = arith.constant 0 : i32
          %dma_start3A_228 = tpu.memref_slice %arg2[%add3A_197, %dma_start3A_226, %dma_start3A_227] : memref<1024x2x100xi32, #tpu.memory_space<hbm>> -> memref<1x2x100xi32, #tpu.memory_space<hbm>>
          %dma_start3A_229 = tpu.memref_squeeze %dma_start3A_228 : memref<1x2x100xi32, #tpu.memory_space<hbm>> -> memref<2x100xi32, #tpu.memory_space<hbm>>
          tpu.enqueue_dma source(%dma_start3A_229 : memref<2x100xi32, #tpu.memory_space<hbm>>) target(%arg9 : memref<2x100xi32, #tpu.memory_space<vmem>>) target_semaphore(%run_scoped3A : memref<!tpu.dma_semaphore, #tpu.memory_space<semaphore_mem>>)
          %dma_wait3A_230 = arith.constant 0 : i32
          %dma_wait3A_231 = arith.constant 0 : i32
          %dma_wait3A_232 = tpu.memref_slice %arg2[%add3A_197, %dma_wait3A_230, %dma_wait3A_231] : memref<1024x2x100xi32, #tpu.memory_space<hbm>> -> memref<1x2x100xi32, #tpu.memory_space<hbm>>
          %dma_wait3A_233 = tpu.memref_squeeze %dma_wait3A_232 : memref<1x2x100xi32, #tpu.memory_space<hbm>> -> memref<2x100xi32, #tpu.memory_space<hbm>>
          %dma_wait3A_234 = arith.constant 0 : i32
          %dma_wait3A_235 = arith.constant 0 : i32
          %dma_wait3A_236 = tpu.memref_slice %arg2[%add3A_197, %dma_wait3A_234, %dma_wait3A_235] : memref<1024x2x100xi32, #tpu.memory_space<hbm>> -> memref<1x2x100xi32, #tpu.memory_space<hbm>>
          %dma_wait3A_237 = tpu.memref_squeeze %dma_wait3A_236 : memref<1x2x100xi32, #tpu.memory_space<hbm>> -> memref<2x100xi32, #tpu.memory_space<hbm>>
          tpu.wait_dma2 semaphore(%run_scoped3A : memref<!tpu.dma_semaphore, #tpu.memory_space<semaphore_mem>>) src(%dma_wait3A_237 : memref<2x100xi32, #tpu.memory_space<hbm>>) dst(%arg9 : memref<2x100xi32, #tpu.memory_space<vmem>>)
          tpu.yield
        }) : () -> ()
        %ge3A = arith.constant 1 : i32
        %ge3A_198 = arith.cmpi sge, %mul3A_112, %ge3A : i32
        %convert_element_type3A_199 = arith.extui %ge3A_198 : i1 to i32
        %cond3A_200 = arith.constant 0 : i32
        %cond3A_201 = arith.cmpi ne, %convert_element_type3A_199, %cond3A_200 : i32
        scf.if %cond3A_201 {
          %sub3A_222 = arith.constant 1 : i32
          %sub3A_223 = arith.subi %add3A_113, %sub3A_222 : i32
          %dma_wait3A_224 = arith.constant 0 : i32
          %dma_wait3A_225 = arith.constant 0 : i32
          %dma_wait3A_226 = tpu.memref_slice %arg7[%sub3A_223, %dma_wait3A_224, %dma_wait3A_225] : memref<1024x200x128xf32, #tpu.memory_space<hbm>> -> memref<1x200x128xf32, #tpu.memory_space<hbm>>
          %dma_wait3A_227 = tpu.memref_squeeze %dma_wait3A_226 : memref<1x200x128xf32, #tpu.memory_space<hbm>> -> memref<200x128xf32, #tpu.memory_space<hbm>>
          %dma_wait3A_228 = arith.constant 0 : i32
          %dma_wait3A_229 = arith.constant 0 : i32
          %dma_wait3A_230 = tpu.memref_slice %arg7[%sub3A_223, %dma_wait3A_228, %dma_wait3A_229] : memref<1024x200x128xf32, #tpu.memory_space<hbm>> -> memref<1x200x128xf32, #tpu.memory_space<hbm>>
          %dma_wait3A_231 = tpu.memref_squeeze %dma_wait3A_230 : memref<1x200x128xf32, #tpu.memory_space<hbm>> -> memref<200x128xf32, #tpu.memory_space<hbm>>
          tpu.wait_dma2 semaphore(%arg18 : memref<!tpu.dma_semaphore, #tpu.memory_space<semaphore_mem>>) src(%arg11 : memref<200x128xf32, #tpu.memory_space<vmem>>) dst(%dma_wait3A_231 : memref<200x128xf32, #tpu.memory_space<hbm>>)
        } else {
        }
        %dma_start3A_202 = arith.constant 0 : i32
        %dma_start3A_203 = arith.constant 0 : i32
        %dma_start3A_204 = arith.constant 0 : i32
        %dma_start3A_205 = tpu.memref_slice %arg11[%dma_start3A_203, %dma_start3A_204] : memref<200x128xf32, #tpu.memory_space<vmem>> -> memref<100x128xf32, #tpu.memory_space<vmem>>
        %dma_start3A_206 = arith.constant 0 : i32
        %dma_start3A_207 = tpu.memref_slice %arg9[%dma_start3A_202, %dma_start3A_206] : memref<2x100xi32, #tpu.memory_space<vmem>> -> memref<1x100xi32, #tpu.memory_space<vmem>>
        %dma_start3A_208 = tpu.memref_squeeze %dma_start3A_207 : memref<1x100xi32, #tpu.memory_space<vmem>> -> memref<100xi32, #tpu.memory_space<vmem>>
        %dma_start3A_209 = arith.constant 0 : i32
        %dma_start3A_210 = arith.constant 0 : i32
        %dma_start3A_211 = tpu.memref_slice %arg3[%dma_start3A_209, %dma_start3A_210] : memref<100000x128xf32, #tpu.memory_space<hbm>> -> memref<100000x128xf32, #tpu.memory_space<hbm>>
        tpu.enqueue_indirect_dma source(%dma_start3A_211 : memref<100000x128xf32, #tpu.memory_space<hbm>>) target(%dma_start3A_205 : memref<100x128xf32, #tpu.memory_space<vmem>>) offsets(%dma_start3A_208 : memref<100xi32, #tpu.memory_space<vmem>>) semaphore(%arg16 : memref<!tpu.dma_semaphore, #tpu.memory_space<semaphore_mem>>)
        %dma_start3A_212 = arith.constant 1 : i32
        %dma_start3A_213 = arith.constant 100 : i32
        %dma_start3A_214 = arith.constant 0 : i32
        %dma_start3A_215 = tpu.memref_slice %arg11[%dma_start3A_213, %dma_start3A_214] : memref<200x128xf32, #tpu.memory_space<vmem>> -> memref<100x128xf32, #tpu.memory_space<vmem>>
        %dma_start3A_216 = arith.constant 0 : i32
        %dma_start3A_217 = tpu.memref_slice %arg9[%dma_start3A_212, %dma_start3A_216] : memref<2x100xi32, #tpu.memory_space<vmem>> -> memref<1x100xi32, #tpu.memory_space<vmem>>
        %dma_start3A_218 = tpu.memref_squeeze %dma_start3A_217 : memref<1x100xi32, #tpu.memory_space<vmem>> -> memref<100xi32, #tpu.memory_space<vmem>>
        %dma_start3A_219 = arith.constant 0 : i32
        %dma_start3A_220 = arith.constant 0 : i32
        %dma_start3A_221 = tpu.memref_slice %arg3[%dma_start3A_219, %dma_start3A_220] : memref<100000x128xf32, #tpu.memory_space<hbm>> -> memref<100000x128xf32, #tpu.memory_space<hbm>>
        tpu.enqueue_indirect_dma source(%dma_start3A_221 : memref<100000x128xf32, #tpu.memory_space<hbm>>) target(%dma_start3A_215 : memref<100x128xf32, #tpu.memory_space<vmem>>) offsets(%dma_start3A_218 : memref<100xi32, #tpu.memory_space<vmem>>) semaphore(%arg16 : memref<!tpu.dma_semaphore, #tpu.memory_space<semaphore_mem>>)
      } else {
      }
      %dma_wait3A_118 = arith.constant 0 : i32
      %dma_wait3A_119 = arith.constant 0 : i32
      %dma_wait3A_120 = arith.constant 0 : i32
      %dma_wait3A_121 = tpu.memref_slice %arg10[%dma_wait3A_119, %dma_wait3A_120] : memref<200x128xf32, #tpu.memory_space<vmem>> -> memref<100x128xf32, #tpu.memory_space<vmem>>
      %dma_wait3A_122 = arith.constant 0 : i32
      %dma_wait3A_123 = tpu.memref_slice %arg8[%dma_wait3A_118, %dma_wait3A_122] : memref<2x100xi32, #tpu.memory_space<vmem>> -> memref<1x100xi32, #tpu.memory_space<vmem>>
      %dma_wait3A_124 = tpu.memref_squeeze %dma_wait3A_123 : memref<1x100xi32, #tpu.memory_space<vmem>> -> memref<100xi32, #tpu.memory_space<vmem>>
      %dma_wait3A_125 = arith.constant 0 : i32
      %dma_wait3A_126 = arith.constant 0 : i32
      %dma_wait3A_127 = tpu.memref_slice %arg3[%dma_wait3A_125, %dma_wait3A_126] : memref<100000x128xf32, #tpu.memory_space<hbm>> -> memref<100000x128xf32, #tpu.memory_space<hbm>>
      tpu.wait_indirect_dma semaphore(%arg15 : memref<!tpu.dma_semaphore, #tpu.memory_space<semaphore_mem>>) src(%dma_wait3A_127 : memref<100000x128xf32, #tpu.memory_space<hbm>>) dst(%dma_wait3A_121 : memref<100x128xf32, #tpu.memory_space<vmem>>)
      %dma_wait3A_128 = arith.constant 1 : i32
      %dma_wait3A_129 = arith.constant 100 : i32
      %dma_wait3A_130 = arith.constant 0 : i32
      %dma_wait3A_131 = tpu.memref_slice %arg10[%dma_wait3A_129, %dma_wait3A_130] : memref<200x128xf32, #tpu.memory_space<vmem>> -> memref<100x128xf32, #tpu.memory_space<vmem>>
      %dma_wait3A_132 = arith.constant 0 : i32
      %dma_wait3A_133 = tpu.memref_slice %arg8[%dma_wait3A_128, %dma_wait3A_132] : memref<2x100xi32, #tpu.memory_space<vmem>> -> memref<1x100xi32, #tpu.memory_space<vmem>>
      %dma_wait3A_134 = tpu.memref_squeeze %dma_wait3A_133 : memref<1x100xi32, #tpu.memory_space<vmem>> -> memref<100xi32, #tpu.memory_space<vmem>>
      %dma_wait3A_135 = arith.constant 0 : i32
      %dma_wait3A_136 = arith.constant 0 : i32
      %dma_wait3A_137 = tpu.memref_slice %arg3[%dma_wait3A_135, %dma_wait3A_136] : memref<100000x128xf32, #tpu.memory_space<hbm>> -> memref<100000x128xf32, #tpu.memory_space<hbm>>
      tpu.wait_indirect_dma semaphore(%arg15 : memref<!tpu.dma_semaphore, #tpu.memory_space<semaphore_mem>>) src(%dma_wait3A_137 : memref<100000x128xf32, #tpu.memory_space<hbm>>) dst(%dma_wait3A_131 : memref<100x128xf32, #tpu.memory_space<vmem>>)
      %scan3A_138 = arith.constant 0 : i32
      %scan3A_139 = arith.constant 0 : i32
      %scan3A_140 = arith.constant 200 : i32
      %scan3A_141 = arith.addi %scan3A_139, %scan3A_140 : i32
      %scan3A_142 = arith.constant 1 : i32
      scf.for %scan3A_196 = %scan3A_139 to %scan3A_141 step %scan3A_142  : i32 {
        %get3A_197 = arith.index_cast %scan3A_196 : i32 to index
        %get3A_198 = arith.constant 0 : index
        %get3A_199 = tpu.vector_load %arg10[%get3A_197, %get3A_198] {strides = array<i32>} : memref<200x128xf32, #tpu.memory_space<vmem>>, vector<1x16xf32>,
        %get3A_200 = vector.shape_cast %get3A_199 : vector<1x16xf32> to vector<16xf32>
        %get3A_201 = arith.index_cast %scan3A_196 : i32 to index
        %get3A_202 = arith.constant 0 : index
        %get3A_203 = tpu.vector_load %arg12[%get3A_201, %get3A_202] {strides = array<i32>} : memref<200x128xf32, #tpu.memory_space<vmem>>, vector<1x16xf32>,
        %get3A_204 = vector.shape_cast %get3A_203 : vector<1x16xf32> to vector<16xf32>
        %add3A_205 = arith.addf %get3A_200, %get3A_204 : vector<16xf32>
        %get3A_206 = arith.index_cast %scan3A_196 : i32 to index
        %get3A_207 = arith.constant 16 : index
        %get3A_208 = tpu.vector_load %arg10[%get3A_206, %get3A_207] {strides = array<i32>} : memref<200x128xf32, #tpu.memory_space<vmem>>, vector<1x16xf32>,
        %get3A_209 = vector.shape_cast %get3A_208 : vector<1x16xf32> to vector<16xf32>
        %get3A_210 = arith.index_cast %scan3A_196 : i32 to index
        %get3A_211 = arith.constant 16 : index
        %get3A_212 = tpu.vector_load %arg12[%get3A_210, %get3A_211] {strides = array<i32>} : memref<200x128xf32, #tpu.memory_space<vmem>>, vector<1x16xf32>,
        %get3A_213 = vector.shape_cast %get3A_212 : vector<1x16xf32> to vector<16xf32>
        %add3A_214 = arith.addf %get3A_209, %get3A_213 : vector<16xf32>
        %get3A_215 = arith.index_cast %scan3A_196 : i32 to index
        %get3A_216 = arith.constant 32 : index
        %get3A_217 = tpu.vector_load %arg10[%get3A_215, %get3A_216] {strides = array<i32>} : memref<200x128xf32, #tpu.memory_space<vmem>>, vector<1x16xf32>,
        %get3A_218 = vector.shape_cast %get3A_217 : vector<1x16xf32> to vector<16xf32>
        %get3A_219 = arith.index_cast %scan3A_196 : i32 to index
        %get3A_220 = arith.constant 32 : index
        %get3A_221 = tpu.vector_load %arg12[%get3A_219, %get3A_220] {strides = array<i32>} : memref<200x128xf32, #tpu.memory_space<vmem>>, vector<1x16xf32>,
        %get3A_222 = vector.shape_cast %get3A_221 : vector<1x16xf32> to vector<16xf32>
        %add3A_223 = arith.addf %get3A_218, %get3A_222 : vector<16xf32>
        %get3A_224 = arith.index_cast %scan3A_196 : i32 to index
        %get3A_225 = arith.constant 48 : index
        %get3A_226 = tpu.vector_load %arg10[%get3A_224, %get3A_225] {strides = array<i32>} : memref<200x128xf32, #tpu.memory_space<vmem>>, vector<1x16xf32>,
        %get3A_227 = vector.shape_cast %get3A_226 : vector<1x16xf32> to vector<16xf32>
        %get3A_228 = arith.index_cast %scan3A_196 : i32 to index
        %get3A_229 = arith.constant 48 : index
        %get3A_230 = tpu.vector_load %arg12[%get3A_228, %get3A_229] {strides = array<i32>} : memref<200x128xf32, #tpu.memory_space<vmem>>, vector<1x16xf32>,
        %get3A_231 = vector.shape_cast %get3A_230 : vector<1x16xf32> to vector<16xf32>
        %add3A_232 = arith.addf %get3A_227, %get3A_231 : vector<16xf32>
        %get3A_233 = arith.index_cast %scan3A_196 : i32 to index
        %get3A_234 = arith.constant 64 : index
        %get3A_235 = tpu.vector_load %arg10[%get3A_233, %get3A_234] {strides = array<i32>} : memref<200x128xf32, #tpu.memory_space<vmem>>, vector<1x16xf32>,
        %get3A_236 = vector.shape_cast %get3A_235 : vector<1x16xf32> to vector<16xf32>
        %get3A_237 = arith.index_cast %scan3A_196 : i32 to index
        %get3A_238 = arith.constant 64 : index
        %get3A_239 = tpu.vector_load %arg12[%get3A_237, %get3A_238] {strides = array<i32>} : memref<200x128xf32, #tpu.memory_space<vmem>>, vector<1x16xf32>,
        %get3A_240 = vector.shape_cast %get3A_239 : vector<1x16xf32> to vector<16xf32>
        %add3A_241 = arith.addf %get3A_236, %get3A_240 : vector<16xf32>
        %get3A_242 = arith.index_cast %scan3A_196 : i32 to index
        %get3A_243 = arith.constant 80 : index
        %get3A_244 = tpu.vector_load %arg10[%get3A_242, %get3A_243] {strides = array<i32>} : memref<200x128xf32, #tpu.memory_space<vmem>>, vector<1x16xf32>,
        %get3A_245 = vector.shape_cast %get3A_244 : vector<1x16xf32> to vector<16xf32>
        %get3A_246 = arith.index_cast %scan3A_196 : i32 to index
        %get3A_247 = arith.constant 80 : index
        %get3A_248 = tpu.vector_load %arg12[%get3A_246, %get3A_247] {strides = array<i32>} : memref<200x128xf32, #tpu.memory_space<vmem>>, vector<1x16xf32>,
        %get3A_249 = vector.shape_cast %get3A_248 : vector<1x16xf32> to vector<16xf32>
        %add3A_250 = arith.addf %get3A_245, %get3A_249 : vector<16xf32>
        %get3A_251 = arith.index_cast %scan3A_196 : i32 to index
        %get3A_252 = arith.constant 96 : index
        %get3A_253 = tpu.vector_load %arg10[%get3A_251, %get3A_252] {strides = array<i32>} : memref<200x128xf32, #tpu.memory_space<vmem>>, vector<1x16xf32>,
        %get3A_254 = vector.shape_cast %get3A_253 : vector<1x16xf32> to vector<16xf32>
        %get3A_255 = arith.index_cast %scan3A_196 : i32 to index
        %get3A_256 = arith.constant 96 : index
        %get3A_257 = tpu.vector_load %arg12[%get3A_255, %get3A_256] {strides = array<i32>} : memref<200x128xf32, #tpu.memory_space<vmem>>, vector<1x16xf32>,
        %get3A_258 = vector.shape_cast %get3A_257 : vector<1x16xf32> to vector<16xf32>
        %add3A_259 = arith.addf %get3A_254, %get3A_258 : vector<16xf32>
        %get3A_260 = arith.index_cast %scan3A_196 : i32 to index
        %get3A_261 = arith.constant 112 : index
        %get3A_262 = tpu.vector_load %arg10[%get3A_260, %get3A_261] {strides = array<i32>} : memref<200x128xf32, #tpu.memory_space<vmem>>, vector<1x16xf32>,
        %get3A_263 = vector.shape_cast %get3A_262 : vector<1x16xf32> to vector<16xf32>
        %get3A_264 = arith.index_cast %scan3A_196 : i32 to index
        %get3A_265 = arith.constant 112 : index
        %get3A_266 = tpu.vector_load %arg12[%get3A_264, %get3A_265] {strides = array<i32>} : memref<200x128xf32, #tpu.memory_space<vmem>>, vector<1x16xf32>,
        %get3A_267 = vector.shape_cast %get3A_266 : vector<1x16xf32> to vector<16xf32>
        %add3A_268 = arith.addf %get3A_263, %get3A_267 : vector<16xf32>
        %mul3A_269 = arith.mulf %add3A_205, %add3A_205 : vector<16xf32>
        %add3A_270 = arith.addf %add3A_205, %add3A_214 : vector<16xf32>
        %mul3A_271 = arith.mulf %add3A_214, %add3A_214 : vector<16xf32>
        %add3A_272 = arith.addf %mul3A_269, %mul3A_271 : vector<16xf32>
        %add3A_273 = arith.addf %add3A_270, %add3A_223 : vector<16xf32>
        %mul3A_274 = arith.mulf %add3A_223, %add3A_223 : vector<16xf32>
        %add3A_275 = arith.addf %add3A_272, %mul3A_274 : vector<16xf32>
        %add3A_276 = arith.addf %add3A_273, %add3A_232 : vector<16xf32>
        %mul3A_277 = arith.mulf %add3A_232, %add3A_232 : vector<16xf32>
        %add3A_278 = arith.addf %add3A_275, %mul3A_277 : vector<16xf32>
        %add3A_279 = arith.addf %add3A_276, %add3A_241 : vector<16xf32>
        %mul3A_280 = arith.mulf %add3A_241, %add3A_241 : vector<16xf32>
        %add3A_281 = arith.addf %add3A_278, %mul3A_280 : vector<16xf32>
        %add3A_282 = arith.addf %add3A_279, %add3A_250 : vector<16xf32>
        %mul3A_283 = arith.mulf %add3A_250, %add3A_250 : vector<16xf32>
        %add3A_284 = arith.addf %add3A_281, %mul3A_283 : vector<16xf32>
        %add3A_285 = arith.addf %add3A_282, %add3A_259 : vector<16xf32>
        %mul3A_286 = arith.mulf %add3A_259, %add3A_259 : vector<16xf32>
        %add3A_287 = arith.addf %add3A_284, %mul3A_286 : vector<16xf32>
        %add3A_288 = arith.addf %add3A_285, %add3A_268 : vector<16xf32>
        %mul3A_289 = arith.mulf %add3A_268, %add3A_268 : vector<16xf32>
        %add3A_290 = arith.addf %add3A_287, %mul3A_289 : vector<16xf32>
        %gather3A = vector.shape_cast %reshape3A : vector<16x1xi32> to vector<16xi32>
        %gather3A_291 = tpu.dynamic_gather %add3A_288[%gather3A] in [0] : vector<16xf32>, vector<16xi32> -> vector<16xf32>
        %add3A_292 = arith.addf %add3A_288, %gather3A_291 : vector<16xf32>
        %gather3A_293 = vector.shape_cast %reshape3A_8 : vector<16x1xi32> to vector<16xi32>
        %gather3A_294 = tpu.dynamic_gather %add3A_292[%gather3A_293] in [0] : vector<16xf32>, vector<16xi32> -> vector<16xf32>
        %add3A_295 = arith.addf %add3A_292, %gather3A_294 : vector<16xf32>
        %gather3A_296 = vector.shape_cast %reshape3A_12 : vector<16x1xi32> to vector<16xi32>
        %gather3A_297 = tpu.dynamic_gather %add3A_295[%gather3A_296] in [0] : vector<16xf32>, vector<16xi32> -> vector<16xf32>
        %add3A_298 = arith.addf %add3A_295, %gather3A_297 : vector<16xf32>
        %gather3A_299 = vector.shape_cast %reshape3A_16 : vector<16x1xi32> to vector<16xi32>
        %gather3A_300 = tpu.dynamic_gather %add3A_298[%gather3A_299] in [0] : vector<16xf32>, vector<16xi32> -> vector<16xf32>
        %add3A_301 = arith.addf %add3A_298, %gather3A_300 : vector<16xf32>
        %gather3A_302 = vector.shape_cast %reshape3A : vector<16x1xi32> to vector<16xi32>
        %gather3A_303 = tpu.dynamic_gather %add3A_290[%gather3A_302] in [0] : vector<16xf32>, vector<16xi32> -> vector<16xf32>
        %add3A_304 = arith.addf %add3A_290, %gather3A_303 : vector<16xf32>
        %gather3A_305 = vector.shape_cast %reshape3A_8 : vector<16x1xi32> to vector<16xi32>
        %gather3A_306 = tpu.dynamic_gather %add3A_304[%gather3A_305] in [0] : vector<16xf32>, vector<16xi32> -> vector<16xf32>
        %add3A_307 = arith.addf %add3A_304, %gather3A_306 : vector<16xf32>
        %gather3A_308 = vector.shape_cast %reshape3A_12 : vector<16x1xi32> to vector<16xi32>
        %gather3A_309 = tpu.dynamic_gather %add3A_307[%gather3A_308] in [0] : vector<16xf32>, vector<16xi32> -> vector<16xf32>
        %add3A_310 = arith.addf %add3A_307, %gather3A_309 : vector<16xf32>
        %gather3A_311 = vector.shape_cast %reshape3A_16 : vector<16x1xi32> to vector<16xi32>
        %gather3A_312 = tpu.dynamic_gather %add3A_310[%gather3A_311] in [0] : vector<16xf32>, vector<16xi32> -> vector<16xf32>
        %add3A_313 = arith.addf %add3A_310, %gather3A_312 : vector<16xf32>
        %mul3A_314 = arith.constant 7.812500e-03 : f32
        %mul3A_315 = vector.broadcast %mul3A_314 : f32 to vector<16xf32>
        %mul3A_316 = arith.mulf %add3A_301, %mul3A_315 : vector<16xf32>
        %mul3A_317 = arith.constant 7.812500e-03 : f32
        %mul3A_318 = vector.broadcast %mul3A_317 : f32 to vector<16xf32>
        %mul3A_319 = arith.mulf %add3A_313, %mul3A_318 : vector<16xf32>
        %mul3A_320 = arith.mulf %mul3A_316, %mul3A_316 : vector<16xf32>
        %sub3A_321 = arith.subf %mul3A_319, %mul3A_320 : vector<16xf32>
        %max3A = arith.constant 0.000000e+00 : f32
        %max3A_322 = vector.broadcast %max3A : f32 to vector<16xf32>
        %max3A_323 = arith.maximumf %sub3A_321, %max3A_322 : vector<16xf32>
        %add3A_324 = arith.constant 9.99999996E-13 : f32
        %add3A_325 = vector.broadcast %add3A_324 : f32 to vector<16xf32>
        %add3A_326 = arith.addf %max3A_323, %add3A_325 : vector<16xf32>
        %bitcast_convert_type3A = tpu.bitcast %add3A_326 : vector<16xf32> -> vector<16xi32>
        %shift_right_arithmetic3A = arith.constant 1 : i32
        %shift_right_arithmetic3A_327 = vector.broadcast %shift_right_arithmetic3A : i32 to vector<16xi32>
        %shift_right_arithmetic3A_328 = arith.shrsi %bitcast_convert_type3A, %shift_right_arithmetic3A_327 : vector<16xi32>
        %sub3A_329 = arith.constant 1597463007 : i32
        %sub3A_330 = vector.broadcast %sub3A_329 : i32 to vector<16xi32>
        %sub3A_331 = arith.subi %sub3A_330, %shift_right_arithmetic3A_328 : vector<16xi32>
        %bitcast_convert_type3A_332 = tpu.bitcast %sub3A_331 : vector<16xi32> -> vector<16xf32>
        %mul3A_333 = arith.constant 5.000000e-01 : f32
        %mul3A_334 = vector.broadcast %mul3A_333 : f32 to vector<16xf32>
        %mul3A_335 = arith.mulf %mul3A_334, %add3A_326 : vector<16xf32>
        %mul3A_336 = arith.mulf %mul3A_335, %bitcast_convert_type3A_332 : vector<16xf32>
        %mul3A_337 = arith.mulf %mul3A_336, %bitcast_convert_type3A_332 : vector<16xf32>
        %sub3A_338 = arith.constant 1.500000e+00 : f32
        %sub3A_339 = vector.broadcast %sub3A_338 : f32 to vector<16xf32>
        %sub3A_340 = arith.subf %sub3A_339, %mul3A_337 : vector<16xf32>
        %mul3A_341 = arith.mulf %bitcast_convert_type3A_332, %sub3A_340 : vector<16xf32>
        %mul3A_342 = arith.constant 5.000000e-01 : f32
        %mul3A_343 = vector.broadcast %mul3A_342 : f32 to vector<16xf32>
        %mul3A_344 = arith.mulf %mul3A_343, %add3A_326 : vector<16xf32>
        %mul3A_345 = arith.mulf %mul3A_344, %mul3A_341 : vector<16xf32>
        %mul3A_346 = arith.mulf %mul3A_345, %mul3A_341 : vector<16xf32>
        %sub3A_347 = arith.constant 1.500000e+00 : f32
        %sub3A_348 = vector.broadcast %sub3A_347 : f32 to vector<16xf32>
        %sub3A_349 = arith.subf %sub3A_348, %mul3A_346 : vector<16xf32>
        %mul3A_350 = arith.mulf %mul3A_341, %sub3A_349 : vector<16xf32>
        %mul3A_351 = arith.constant 5.000000e-01 : f32
        %mul3A_352 = vector.broadcast %mul3A_351 : f32 to vector<16xf32>
        %mul3A_353 = arith.mulf %mul3A_352, %add3A_326 : vector<16xf32>
        %mul3A_354 = arith.mulf %mul3A_353, %mul3A_350 : vector<16xf32>
        %mul3A_355 = arith.mulf %mul3A_354, %mul3A_350 : vector<16xf32>
        %sub3A_356 = arith.constant 1.500000e+00 : f32
        %sub3A_357 = vector.broadcast %sub3A_356 : f32 to vector<16xf32>
        %sub3A_358 = arith.subf %sub3A_357, %mul3A_355 : vector<16xf32>
        %mul3A_359 = arith.mulf %mul3A_350, %sub3A_358 : vector<16xf32>
        %mul3A_360 = arith.mulf %mul3A_316, %mul3A_359 : vector<16xf32>
        %mul3A_361 = arith.mulf %add3A_205, %mul3A_359 : vector<16xf32>
        %sub3A_362 = arith.subf %mul3A_361, %mul3A_360 : vector<16xf32>
        %mul3A_363 = arith.mulf %sub3A_362, %get3A_18 : vector<16xf32>
        %add3A_364 = arith.addf %mul3A_363, %get3A_42 : vector<16xf32>
        %swap3A = arith.index_cast %scan3A_196 : i32 to index
        %swap3A_365 = arith.constant 0 : index
        %swap3A_366 = tpu.vector_load %arg10[%swap3A, %swap3A_365] {strides = array<i32>} : memref<200x128xf32, #tpu.memory_space<vmem>>, vector<1x16xf32>,
        %swap3A_367 = vector.shape_cast %swap3A_366 : vector<1x16xf32> to vector<16xf32>
        %swap3A_368 = vector.shape_cast %add3A_364 : vector<16xf32> to vector<1x16xf32>
        tpu.vector_store %arg10[%swap3A, %swap3A_365], %swap3A_368 {strides = array<i32>} : memref<200x128xf32, #tpu.memory_space<vmem>>, vector<1x16xf32>,
        %mul3A_369 = arith.mulf %add3A_214, %mul3A_359 : vector<16xf32>
        %sub3A_370 = arith.subf %mul3A_369, %mul3A_360 : vector<16xf32>
        %mul3A_371 = arith.mulf %sub3A_370, %get3A_21 : vector<16xf32>
        %add3A_372 = arith.addf %mul3A_371, %get3A_45 : vector<16xf32>
        %swap3A_373 = arith.index_cast %scan3A_196 : i32 to index
        %swap3A_374 = arith.constant 16 : index
        %swap3A_375 = tpu.vector_load %arg10[%swap3A_373, %swap3A_374] {strides = array<i32>} : memref<200x128xf32, #tpu.memory_space<vmem>>, vector<1x16xf32>,
        %swap3A_376 = vector.shape_cast %swap3A_375 : vector<1x16xf32> to vector<16xf32>
        %swap3A_377 = vector.shape_cast %add3A_372 : vector<16xf32> to vector<1x16xf32>
        tpu.vector_store %arg10[%swap3A_373, %swap3A_374], %swap3A_377 {strides = array<i32>} : memref<200x128xf32, #tpu.memory_space<vmem>>, vector<1x16xf32>,
        %mul3A_378 = arith.mulf %add3A_223, %mul3A_359 : vector<16xf32>
        %sub3A_379 = arith.subf %mul3A_378, %mul3A_360 : vector<16xf32>
        %mul3A_380 = arith.mulf %sub3A_379, %get3A_24 : vector<16xf32>
        %add3A_381 = arith.addf %mul3A_380, %get3A_48 : vector<16xf32>
        %swap3A_382 = arith.index_cast %scan3A_196 : i32 to index
        %swap3A_383 = arith.constant 32 : index
        %swap3A_384 = tpu.vector_load %arg10[%swap3A_382, %swap3A_383] {strides = array<i32>} : memref<200x128xf32, #tpu.memory_space<vmem>>, vector<1x16xf32>,
        %swap3A_385 = vector.shape_cast %swap3A_384 : vector<1x16xf32> to vector<16xf32>
        %swap3A_386 = vector.shape_cast %add3A_381 : vector<16xf32> to vector<1x16xf32>
        tpu.vector_store %arg10[%swap3A_382, %swap3A_383], %swap3A_386 {strides = array<i32>} : memref<200x128xf32, #tpu.memory_space<vmem>>, vector<1x16xf32>,
        %mul3A_387 = arith.mulf %add3A_232, %mul3A_359 : vector<16xf32>
        %sub3A_388 = arith.subf %mul3A_387, %mul3A_360 : vector<16xf32>
        %mul3A_389 = arith.mulf %sub3A_388, %get3A_27 : vector<16xf32>
        %add3A_390 = arith.addf %mul3A_389, %get3A_51 : vector<16xf32>
        %swap3A_391 = arith.index_cast %scan3A_196 : i32 to index
        %swap3A_392 = arith.constant 48 : index
        %swap3A_393 = tpu.vector_load %arg10[%swap3A_391, %swap3A_392] {strides = array<i32>} : memref<200x128xf32, #tpu.memory_space<vmem>>, vector<1x16xf32>,
        %swap3A_394 = vector.shape_cast %swap3A_393 : vector<1x16xf32> to vector<16xf32>
        %swap3A_395 = vector.shape_cast %add3A_390 : vector<16xf32> to vector<1x16xf32>
        tpu.vector_store %arg10[%swap3A_391, %swap3A_392], %swap3A_395 {strides = array<i32>} : memref<200x128xf32, #tpu.memory_space<vmem>>, vector<1x16xf32>,
        %mul3A_396 = arith.mulf %add3A_241, %mul3A_359 : vector<16xf32>
        %sub3A_397 = arith.subf %mul3A_396, %mul3A_360 : vector<16xf32>
        %mul3A_398 = arith.mulf %sub3A_397, %get3A_30 : vector<16xf32>
        %add3A_399 = arith.addf %mul3A_398, %get3A_54 : vector<16xf32>
        %swap3A_400 = arith.index_cast %scan3A_196 : i32 to index
        %swap3A_401 = arith.constant 64 : index
        %swap3A_402 = tpu.vector_load %arg10[%swap3A_400, %swap3A_401] {strides = array<i32>} : memref<200x128xf32, #tpu.memory_space<vmem>>, vector<1x16xf32>,
        %swap3A_403 = vector.shape_cast %swap3A_402 : vector<1x16xf32> to vector<16xf32>
        %swap3A_404 = vector.shape_cast %add3A_399 : vector<16xf32> to vector<1x16xf32>
        tpu.vector_store %arg10[%swap3A_400, %swap3A_401], %swap3A_404 {strides = array<i32>} : memref<200x128xf32, #tpu.memory_space<vmem>>, vector<1x16xf32>,
        %mul3A_405 = arith.mulf %add3A_250, %mul3A_359 : vector<16xf32>
        %sub3A_406 = arith.subf %mul3A_405, %mul3A_360 : vector<16xf32>
        %mul3A_407 = arith.mulf %sub3A_406, %get3A_33 : vector<16xf32>
        %add3A_408 = arith.addf %mul3A_407, %get3A_57 : vector<16xf32>
        %swap3A_409 = arith.index_cast %scan3A_196 : i32 to index
        %swap3A_410 = arith.constant 80 : index
        %swap3A_411 = tpu.vector_load %arg10[%swap3A_409, %swap3A_410] {strides = array<i32>} : memref<200x128xf32, #tpu.memory_space<vmem>>, vector<1x16xf32>,
        %swap3A_412 = vector.shape_cast %swap3A_411 : vector<1x16xf32> to vector<16xf32>
        %swap3A_413 = vector.shape_cast %add3A_408 : vector<16xf32> to vector<1x16xf32>
        tpu.vector_store %arg10[%swap3A_409, %swap3A_410], %swap3A_413 {strides = array<i32>} : memref<200x128xf32, #tpu.memory_space<vmem>>, vector<1x16xf32>,
        %mul3A_414 = arith.mulf %add3A_259, %mul3A_359 : vector<16xf32>
        %sub3A_415 = arith.subf %mul3A_414, %mul3A_360 : vector<16xf32>
        %mul3A_416 = arith.mulf %sub3A_415, %get3A_36 : vector<16xf32>
        %add3A_417 = arith.addf %mul3A_416, %get3A_60 : vector<16xf32>
        %swap3A_418 = arith.index_cast %scan3A_196 : i32 to index
        %swap3A_419 = arith.constant 96 : index
        %swap3A_420 = tpu.vector_load %arg10[%swap3A_418, %swap3A_419] {strides = array<i32>} : memref<200x128xf32, #tpu.memory_space<vmem>>, vector<1x16xf32>,
        %swap3A_421 = vector.shape_cast %swap3A_420 : vector<1x16xf32> to vector<16xf32>
        %swap3A_422 = vector.shape_cast %add3A_417 : vector<16xf32> to vector<1x16xf32>
        tpu.vector_store %arg10[%swap3A_418, %swap3A_419], %swap3A_422 {strides = array<i32>} : memref<200x128xf32, #tpu.memory_space<vmem>>, vector<1x16xf32>,
        %mul3A_423 = arith.mulf %add3A_268, %mul3A_359 : vector<16xf32>
        %sub3A_424 = arith.subf %mul3A_423, %mul3A_360 : vector<16xf32>
        %mul3A_425 = arith.mulf %sub3A_424, %get3A_39 : vector<16xf32>
        %add3A_426 = arith.addf %mul3A_425, %get3A_63 : vector<16xf32>
        %swap3A_427 = arith.index_cast %scan3A_196 : i32 to index
        %swap3A_428 = arith.constant 112 : index
        %swap3A_429 = tpu.vector_load %arg10[%swap3A_427, %swap3A_428] {strides = array<i32>} : memref<200x128xf32, #tpu.memory_space<vmem>>, vector<1x16xf32>,
        %swap3A_430 = vector.shape_cast %swap3A_429 : vector<1x16xf32> to vector<16xf32>
        %swap3A_431 = vector.shape_cast %add3A_426 : vector<16xf32> to vector<1x16xf32>
        tpu.vector_store %arg10[%swap3A_427, %swap3A_428], %swap3A_431 {strides = array<i32>} : memref<200x128xf32, #tpu.memory_space<vmem>>, vector<1x16xf32>,
      }
      %scan3A_143 = arith.constant 200 : i32
      %dma_start3A_144 = arith.constant 0 : i32
      %dma_start3A_145 = arith.constant 0 : i32
      %dma_start3A_146 = tpu.memref_slice %arg7[%add3A_113, %dma_start3A_144, %dma_start3A_145] : memref<1024x200x128xf32, #tpu.memory_space<hbm>> -> memref<1x200x128xf32, #tpu.memory_space<hbm>>
      %dma_start3A_147 = tpu.memref_squeeze %dma_start3A_146 : memref<1x200x128xf32, #tpu.memory_space<hbm>> -> memref<200x128xf32, #tpu.memory_space<hbm>>
      %dma_start3A_148 = arith.constant 0 : i32
      %dma_start3A_149 = arith.constant 0 : i32
      %dma_start3A_150 = tpu.memref_slice %arg7[%add3A_113, %dma_start3A_148, %dma_start3A_149] : memref<1024x200x128xf32, #tpu.memory_space<hbm>> -> memref<1x200x128xf32, #tpu.memory_space<hbm>>
      %dma_start3A_151 = tpu.memref_squeeze %dma_start3A_150 : memref<1x200x128xf32, #tpu.memory_space<hbm>> -> memref<200x128xf32, #tpu.memory_space<hbm>>
      tpu.enqueue_dma source(%arg10 : memref<200x128xf32, #tpu.memory_space<vmem>>) target(%dma_start3A_151 : memref<200x128xf32, #tpu.memory_space<hbm>>) target_semaphore(%arg17 : memref<!tpu.dma_semaphore, #tpu.memory_space<semaphore_mem>>)
      %add3A_152 = arith.constant 1 : i32
      %add3A_153 = arith.addi %mul3A_112, %add3A_152 : i32
      %add3A_154 = arith.addi %mul3A_2, %add3A_153 : i32
      %add3A_155 = arith.constant 1 : i32
      %add3A_156 = arith.addi %add3A_153, %add3A_155 : i32
      %lt3A_157 = arith.constant 32 : i32
      %lt3A_158 = arith.cmpi slt, %add3A_156, %lt3A_157 : i32
      %convert_element_type3A_159 = arith.extui %lt3A_158 : i1 to i32
      %cond3A_160 = arith.constant 0 : i32
      %cond3A_161 = arith.cmpi ne, %convert_element_type3A_159, %cond3A_160 : i32
      scf.if %cond3A_161 {
        %add3A_196 = arith.constant 1 : i32
        %add3A_197 = arith.addi %add3A_154, %add3A_196 : i32
        "tpu.region"() ({
          %run_scoped3A = tpu.sem_alloc : memref<!tpu.dma_semaphore, #tpu.memory_space<semaphore_mem>>
          %dma_start3A_222 = arith.constant 0 : i32
          %dma_start3A_223 = arith.constant 0 : i32
          %dma_start3A_224 = tpu.memref_slice %arg2[%add3A_197, %dma_start3A_222, %dma_start3A_223] : memref<1024x2x100xi32, #tpu.memory_space<hbm>> -> memref<1x2x100xi32, #tpu.memory_space<hbm>>
          %dma_start3A_225 = tpu.memref_squeeze %dma_start3A_224 : memref<1x2x100xi32, #tpu.memory_space<hbm>> -> memref<2x100xi32, #tpu.memory_space<hbm>>
          %dma_start3A_226 = arith.constant 0 : i32
          %dma_start3A_227 = arith.constant 0 : i32
          %dma_start3A_228 = tpu.memref_slice %arg2[%add3A_197, %dma_start3A_226, %dma_start3A_227] : memref<1024x2x100xi32, #tpu.memory_space<hbm>> -> memref<1x2x100xi32, #tpu.memory_space<hbm>>
          %dma_start3A_229 = tpu.memref_squeeze %dma_start3A_228 : memref<1x2x100xi32, #tpu.memory_space<hbm>> -> memref<2x100xi32, #tpu.memory_space<hbm>>
          tpu.enqueue_dma source(%dma_start3A_229 : memref<2x100xi32, #tpu.memory_space<hbm>>) target(%arg8 : memref<2x100xi32, #tpu.memory_space<vmem>>) target_semaphore(%run_scoped3A : memref<!tpu.dma_semaphore, #tpu.memory_space<semaphore_mem>>)
          %dma_wait3A_230 = arith.constant 0 : i32
          %dma_wait3A_231 = arith.constant 0 : i32
          %dma_wait3A_232 = tpu.memref_slice %arg2[%add3A_197, %dma_wait3A_230, %dma_wait3A_231] : memref<1024x2x100xi32, #tpu.memory_space<hbm>> -> memref<1x2x100xi32, #tpu.memory_space<hbm>>
          %dma_wait3A_233 = tpu.memref_squeeze %dma_wait3A_232 : memref<1x2x100xi32, #tpu.memory_space<hbm>> -> memref<2x100xi32, #tpu.memory_space<hbm>>
          %dma_wait3A_234 = arith.constant 0 : i32
          %dma_wait3A_235 = arith.constant 0 : i32
          %dma_wait3A_236 = tpu.memref_slice %arg2[%add3A_197, %dma_wait3A_234, %dma_wait3A_235] : memref<1024x2x100xi32, #tpu.memory_space<hbm>> -> memref<1x2x100xi32, #tpu.memory_space<hbm>>
          %dma_wait3A_237 = tpu.memref_squeeze %dma_wait3A_236 : memref<1x2x100xi32, #tpu.memory_space<hbm>> -> memref<2x100xi32, #tpu.memory_space<hbm>>
          tpu.wait_dma2 semaphore(%run_scoped3A : memref<!tpu.dma_semaphore, #tpu.memory_space<semaphore_mem>>) src(%dma_wait3A_237 : memref<2x100xi32, #tpu.memory_space<hbm>>) dst(%arg8 : memref<2x100xi32, #tpu.memory_space<vmem>>)
          tpu.yield
        }) : () -> ()
        %ge3A = arith.constant 1 : i32
        %ge3A_198 = arith.cmpi sge, %add3A_153, %ge3A : i32
        %convert_element_type3A_199 = arith.extui %ge3A_198 : i1 to i32
        %cond3A_200 = arith.constant 0 : i32
        %cond3A_201 = arith.cmpi ne, %convert_element_type3A_199, %cond3A_200 : i32
        scf.if %cond3A_201 {
          %sub3A_222 = arith.constant 1 : i32
          %sub3A_223 = arith.subi %add3A_154, %sub3A_222 : i32
          %dma_wait3A_224 = arith.constant 0 : i32
          %dma_wait3A_225 = arith.constant 0 : i32
          %dma_wait3A_226 = tpu.memref_slice %arg7[%sub3A_223, %dma_wait3A_224, %dma_wait3A_225] : memref<1024x200x128xf32, #tpu.memory_space<hbm>> -> memref<1x200x128xf32, #tpu.memory_space<hbm>>
          %dma_wait3A_227 = tpu.memref_squeeze %dma_wait3A_226 : memref<1x200x128xf32, #tpu.memory_space<hbm>> -> memref<200x128xf32, #tpu.memory_space<hbm>>
          %dma_wait3A_228 = arith.constant 0 : i32
          %dma_wait3A_229 = arith.constant 0 : i32
          %dma_wait3A_230 = tpu.memref_slice %arg7[%sub3A_223, %dma_wait3A_228, %dma_wait3A_229] : memref<1024x200x128xf32, #tpu.memory_space<hbm>> -> memref<1x200x128xf32, #tpu.memory_space<hbm>>
          %dma_wait3A_231 = tpu.memref_squeeze %dma_wait3A_230 : memref<1x200x128xf32, #tpu.memory_space<hbm>> -> memref<200x128xf32, #tpu.memory_space<hbm>>
          tpu.wait_dma2 semaphore(%arg17 : memref<!tpu.dma_semaphore, #tpu.memory_space<semaphore_mem>>) src(%arg10 : memref<200x128xf32, #tpu.memory_space<vmem>>) dst(%dma_wait3A_231 : memref<200x128xf32, #tpu.memory_space<hbm>>)
        } else {
        }
        %dma_start3A_202 = arith.constant 0 : i32
        %dma_start3A_203 = arith.constant 0 : i32
        %dma_start3A_204 = arith.constant 0 : i32
        %dma_start3A_205 = tpu.memref_slice %arg10[%dma_start3A_203, %dma_start3A_204] : memref<200x128xf32, #tpu.memory_space<vmem>> -> memref<100x128xf32, #tpu.memory_space<vmem>>
        %dma_start3A_206 = arith.constant 0 : i32
        %dma_start3A_207 = tpu.memref_slice %arg8[%dma_start3A_202, %dma_start3A_206] : memref<2x100xi32, #tpu.memory_space<vmem>> -> memref<1x100xi32, #tpu.memory_space<vmem>>
        %dma_start3A_208 = tpu.memref_squeeze %dma_start3A_207 : memref<1x100xi32, #tpu.memory_space<vmem>> -> memref<100xi32, #tpu.memory_space<vmem>>
        %dma_start3A_209 = arith.constant 0 : i32
        %dma_start3A_210 = arith.constant 0 : i32
        %dma_start3A_211 = tpu.memref_slice %arg3[%dma_start3A_209, %dma_start3A_210] : memref<100000x128xf32, #tpu.memory_space<hbm>> -> memref<100000x128xf32, #tpu.memory_space<hbm>>
        tpu.enqueue_indirect_dma source(%dma_start3A_211 : memref<100000x128xf32, #tpu.memory_space<hbm>>) target(%dma_start3A_205 : memref<100x128xf32, #tpu.memory_space<vmem>>) offsets(%dma_start3A_208 : memref<100xi32, #tpu.memory_space<vmem>>) semaphore(%arg15 : memref<!tpu.dma_semaphore, #tpu.memory_space<semaphore_mem>>)
        %dma_start3A_212 = arith.constant 1 : i32
        %dma_start3A_213 = arith.constant 100 : i32
        %dma_start3A_214 = arith.constant 0 : i32
        %dma_start3A_215 = tpu.memref_slice %arg10[%dma_start3A_213, %dma_start3A_214] : memref<200x128xf32, #tpu.memory_space<vmem>> -> memref<100x128xf32, #tpu.memory_space<vmem>>
        %dma_start3A_216 = arith.constant 0 : i32
        %dma_start3A_217 = tpu.memref_slice %arg8[%dma_start3A_212, %dma_start3A_216] : memref<2x100xi32, #tpu.memory_space<vmem>> -> memref<1x100xi32, #tpu.memory_space<vmem>>
        %dma_start3A_218 = tpu.memref_squeeze %dma_start3A_217 : memref<1x100xi32, #tpu.memory_space<vmem>> -> memref<100xi32, #tpu.memory_space<vmem>>
        %dma_start3A_219 = arith.constant 0 : i32
        %dma_start3A_220 = arith.constant 0 : i32
        %dma_start3A_221 = tpu.memref_slice %arg3[%dma_start3A_219, %dma_start3A_220] : memref<100000x128xf32, #tpu.memory_space<hbm>> -> memref<100000x128xf32, #tpu.memory_space<hbm>>
        tpu.enqueue_indirect_dma source(%dma_start3A_221 : memref<100000x128xf32, #tpu.memory_space<hbm>>) target(%dma_start3A_215 : memref<100x128xf32, #tpu.memory_space<vmem>>) offsets(%dma_start3A_218 : memref<100xi32, #tpu.memory_space<vmem>>) semaphore(%arg15 : memref<!tpu.dma_semaphore, #tpu.memory_space<semaphore_mem>>)
      } else {
      }
      %dma_wait3A_162 = arith.constant 0 : i32
      %dma_wait3A_163 = arith.constant 0 : i32
      %dma_wait3A_164 = arith.constant 0 : i32
      %dma_wait3A_165 = tpu.memref_slice %arg11[%dma_wait3A_163, %dma_wait3A_164] : memref<200x128xf32, #tpu.memory_space<vmem>> -> memref<100x128xf32, #tpu.memory_space<vmem>>
      %dma_wait3A_166 = arith.constant 0 : i32
      %dma_wait3A_167 = tpu.memref_slice %arg9[%dma_wait3A_162, %dma_wait3A_166] : memref<2x100xi32, #tpu.memory_space<vmem>> -> memref<1x100xi32, #tpu.memory_space<vmem>>
      %dma_wait3A_168 = tpu.memref_squeeze %dma_wait3A_167 : memref<1x100xi32, #tpu.memory_space<vmem>> -> memref<100xi32, #tpu.memory_space<vmem>>
      %dma_wait3A_169 = arith.constant 0 : i32
      %dma_wait3A_170 = arith.constant 0 : i32
      %dma_wait3A_171 = tpu.memref_slice %arg3[%dma_wait3A_169, %dma_wait3A_170] : memref<100000x128xf32, #tpu.memory_space<hbm>> -> memref<100000x128xf32, #tpu.memory_space<hbm>>
      tpu.wait_indirect_dma semaphore(%arg16 : memref<!tpu.dma_semaphore, #tpu.memory_space<semaphore_mem>>) src(%dma_wait3A_171 : memref<100000x128xf32, #tpu.memory_space<hbm>>) dst(%dma_wait3A_165 : memref<100x128xf32, #tpu.memory_space<vmem>>)
      %dma_wait3A_172 = arith.constant 1 : i32
      %dma_wait3A_173 = arith.constant 100 : i32
      %dma_wait3A_174 = arith.constant 0 : i32
      %dma_wait3A_175 = tpu.memref_slice %arg11[%dma_wait3A_173, %dma_wait3A_174] : memref<200x128xf32, #tpu.memory_space<vmem>> -> memref<100x128xf32, #tpu.memory_space<vmem>>
      %dma_wait3A_176 = arith.constant 0 : i32
      %dma_wait3A_177 = tpu.memref_slice %arg9[%dma_wait3A_172, %dma_wait3A_176] : memref<2x100xi32, #tpu.memory_space<vmem>> -> memref<1x100xi32, #tpu.memory_space<vmem>>
      %dma_wait3A_178 = tpu.memref_squeeze %dma_wait3A_177 : memref<1x100xi32, #tpu.memory_space<vmem>> -> memref<100xi32, #tpu.memory_space<vmem>>
      %dma_wait3A_179 = arith.constant 0 : i32
      %dma_wait3A_180 = arith.constant 0 : i32
      %dma_wait3A_181 = tpu.memref_slice %arg3[%dma_wait3A_179, %dma_wait3A_180] : memref<100000x128xf32, #tpu.memory_space<hbm>> -> memref<100000x128xf32, #tpu.memory_space<hbm>>
      tpu.wait_indirect_dma semaphore(%arg16 : memref<!tpu.dma_semaphore, #tpu.memory_space<semaphore_mem>>) src(%dma_wait3A_181 : memref<100000x128xf32, #tpu.memory_space<hbm>>) dst(%dma_wait3A_175 : memref<100x128xf32, #tpu.memory_space<vmem>>)
      %scan3A_182 = arith.constant 0 : i32
      %scan3A_183 = arith.constant 0 : i32
      %scan3A_184 = arith.constant 200 : i32
      %scan3A_185 = arith.addi %scan3A_183, %scan3A_184 : i32
      %scan3A_186 = arith.constant 1 : i32
      scf.for %scan3A_196 = %scan3A_183 to %scan3A_185 step %scan3A_186  : i32 {
        %get3A_197 = arith.index_cast %scan3A_196 : i32 to index
        %get3A_198 = arith.constant 0 : index
        %get3A_199 = tpu.vector_load %arg11[%get3A_197, %get3A_198] {strides = array<i32>} : memref<200x128xf32, #tpu.memory_space<vmem>>, vector<1x16xf32>,
        %get3A_200 = vector.shape_cast %get3A_199 : vector<1x16xf32> to vector<16xf32>
        %get3A_201 = arith.index_cast %scan3A_196 : i32 to index
        %get3A_202 = arith.constant 0 : index
        %get3A_203 = tpu.vector_load %arg12[%get3A_201, %get3A_202] {strides = array<i32>} : memref<200x128xf32, #tpu.memory_space<vmem>>, vector<1x16xf32>,
        %get3A_204 = vector.shape_cast %get3A_203 : vector<1x16xf32> to vector<16xf32>
        %add3A_205 = arith.addf %get3A_200, %get3A_204 : vector<16xf32>
        %get3A_206 = arith.index_cast %scan3A_196 : i32 to index
        %get3A_207 = arith.constant 16 : index
        %get3A_208 = tpu.vector_load %arg11[%get3A_206, %get3A_207] {strides = array<i32>} : memref<200x128xf32, #tpu.memory_space<vmem>>, vector<1x16xf32>,
        %get3A_209 = vector.shape_cast %get3A_208 : vector<1x16xf32> to vector<16xf32>
        %get3A_210 = arith.index_cast %scan3A_196 : i32 to index
        %get3A_211 = arith.constant 16 : index
        %get3A_212 = tpu.vector_load %arg12[%get3A_210, %get3A_211] {strides = array<i32>} : memref<200x128xf32, #tpu.memory_space<vmem>>, vector<1x16xf32>,
        %get3A_213 = vector.shape_cast %get3A_212 : vector<1x16xf32> to vector<16xf32>
        %add3A_214 = arith.addf %get3A_209, %get3A_213 : vector<16xf32>
        %get3A_215 = arith.index_cast %scan3A_196 : i32 to index
        %get3A_216 = arith.constant 32 : index
        %get3A_217 = tpu.vector_load %arg11[%get3A_215, %get3A_216] {strides = array<i32>} : memref<200x128xf32, #tpu.memory_space<vmem>>, vector<1x16xf32>,
        %get3A_218 = vector.shape_cast %get3A_217 : vector<1x16xf32> to vector<16xf32>
        %get3A_219 = arith.index_cast %scan3A_196 : i32 to index
        %get3A_220 = arith.constant 32 : index
        %get3A_221 = tpu.vector_load %arg12[%get3A_219, %get3A_220] {strides = array<i32>} : memref<200x128xf32, #tpu.memory_space<vmem>>, vector<1x16xf32>,
        %get3A_222 = vector.shape_cast %get3A_221 : vector<1x16xf32> to vector<16xf32>
        %add3A_223 = arith.addf %get3A_218, %get3A_222 : vector<16xf32>
        %get3A_224 = arith.index_cast %scan3A_196 : i32 to index
        %get3A_225 = arith.constant 48 : index
        %get3A_226 = tpu.vector_load %arg11[%get3A_224, %get3A_225] {strides = array<i32>} : memref<200x128xf32, #tpu.memory_space<vmem>>, vector<1x16xf32>,
        %get3A_227 = vector.shape_cast %get3A_226 : vector<1x16xf32> to vector<16xf32>
        %get3A_228 = arith.index_cast %scan3A_196 : i32 to index
        %get3A_229 = arith.constant 48 : index
        %get3A_230 = tpu.vector_load %arg12[%get3A_228, %get3A_229] {strides = array<i32>} : memref<200x128xf32, #tpu.memory_space<vmem>>, vector<1x16xf32>,
        %get3A_231 = vector.shape_cast %get3A_230 : vector<1x16xf32> to vector<16xf32>
        %add3A_232 = arith.addf %get3A_227, %get3A_231 : vector<16xf32>
        %get3A_233 = arith.index_cast %scan3A_196 : i32 to index
        %get3A_234 = arith.constant 64 : index
        %get3A_235 = tpu.vector_load %arg11[%get3A_233, %get3A_234] {strides = array<i32>} : memref<200x128xf32, #tpu.memory_space<vmem>>, vector<1x16xf32>,
        %get3A_236 = vector.shape_cast %get3A_235 : vector<1x16xf32> to vector<16xf32>
        %get3A_237 = arith.index_cast %scan3A_196 : i32 to index
        %get3A_238 = arith.constant 64 : index
        %get3A_239 = tpu.vector_load %arg12[%get3A_237, %get3A_238] {strides = array<i32>} : memref<200x128xf32, #tpu.memory_space<vmem>>, vector<1x16xf32>,
        %get3A_240 = vector.shape_cast %get3A_239 : vector<1x16xf32> to vector<16xf32>
        %add3A_241 = arith.addf %get3A_236, %get3A_240 : vector<16xf32>
        %get3A_242 = arith.index_cast %scan3A_196 : i32 to index
        %get3A_243 = arith.constant 80 : index
        %get3A_244 = tpu.vector_load %arg11[%get3A_242, %get3A_243] {strides = array<i32>} : memref<200x128xf32, #tpu.memory_space<vmem>>, vector<1x16xf32>,
        %get3A_245 = vector.shape_cast %get3A_244 : vector<1x16xf32> to vector<16xf32>
        %get3A_246 = arith.index_cast %scan3A_196 : i32 to index
        %get3A_247 = arith.constant 80 : index
        %get3A_248 = tpu.vector_load %arg12[%get3A_246, %get3A_247] {strides = array<i32>} : memref<200x128xf32, #tpu.memory_space<vmem>>, vector<1x16xf32>,
        %get3A_249 = vector.shape_cast %get3A_248 : vector<1x16xf32> to vector<16xf32>
        %add3A_250 = arith.addf %get3A_245, %get3A_249 : vector<16xf32>
        %get3A_251 = arith.index_cast %scan3A_196 : i32 to index
        %get3A_252 = arith.constant 96 : index
        %get3A_253 = tpu.vector_load %arg11[%get3A_251, %get3A_252] {strides = array<i32>} : memref<200x128xf32, #tpu.memory_space<vmem>>, vector<1x16xf32>,
        %get3A_254 = vector.shape_cast %get3A_253 : vector<1x16xf32> to vector<16xf32>
        %get3A_255 = arith.index_cast %scan3A_196 : i32 to index
        %get3A_256 = arith.constant 96 : index
        %get3A_257 = tpu.vector_load %arg12[%get3A_255, %get3A_256] {strides = array<i32>} : memref<200x128xf32, #tpu.memory_space<vmem>>, vector<1x16xf32>,
        %get3A_258 = vector.shape_cast %get3A_257 : vector<1x16xf32> to vector<16xf32>
        %add3A_259 = arith.addf %get3A_254, %get3A_258 : vector<16xf32>
        %get3A_260 = arith.index_cast %scan3A_196 : i32 to index
        %get3A_261 = arith.constant 112 : index
        %get3A_262 = tpu.vector_load %arg11[%get3A_260, %get3A_261] {strides = array<i32>} : memref<200x128xf32, #tpu.memory_space<vmem>>, vector<1x16xf32>,
        %get3A_263 = vector.shape_cast %get3A_262 : vector<1x16xf32> to vector<16xf32>
        %get3A_264 = arith.index_cast %scan3A_196 : i32 to index
        %get3A_265 = arith.constant 112 : index
        %get3A_266 = tpu.vector_load %arg12[%get3A_264, %get3A_265] {strides = array<i32>} : memref<200x128xf32, #tpu.memory_space<vmem>>, vector<1x16xf32>,
        %get3A_267 = vector.shape_cast %get3A_266 : vector<1x16xf32> to vector<16xf32>
        %add3A_268 = arith.addf %get3A_263, %get3A_267 : vector<16xf32>
        %mul3A_269 = arith.mulf %add3A_205, %add3A_205 : vector<16xf32>
        %add3A_270 = arith.addf %add3A_205, %add3A_214 : vector<16xf32>
        %mul3A_271 = arith.mulf %add3A_214, %add3A_214 : vector<16xf32>
        %add3A_272 = arith.addf %mul3A_269, %mul3A_271 : vector<16xf32>
        %add3A_273 = arith.addf %add3A_270, %add3A_223 : vector<16xf32>
        %mul3A_274 = arith.mulf %add3A_223, %add3A_223 : vector<16xf32>
        %add3A_275 = arith.addf %add3A_272, %mul3A_274 : vector<16xf32>
        %add3A_276 = arith.addf %add3A_273, %add3A_232 : vector<16xf32>
        %mul3A_277 = arith.mulf %add3A_232, %add3A_232 : vector<16xf32>
        %add3A_278 = arith.addf %add3A_275, %mul3A_277 : vector<16xf32>
        %add3A_279 = arith.addf %add3A_276, %add3A_241 : vector<16xf32>
        %mul3A_280 = arith.mulf %add3A_241, %add3A_241 : vector<16xf32>
        %add3A_281 = arith.addf %add3A_278, %mul3A_280 : vector<16xf32>
        %add3A_282 = arith.addf %add3A_279, %add3A_250 : vector<16xf32>
        %mul3A_283 = arith.mulf %add3A_250, %add3A_250 : vector<16xf32>
        %add3A_284 = arith.addf %add3A_281, %mul3A_283 : vector<16xf32>
        %add3A_285 = arith.addf %add3A_282, %add3A_259 : vector<16xf32>
        %mul3A_286 = arith.mulf %add3A_259, %add3A_259 : vector<16xf32>
        %add3A_287 = arith.addf %add3A_284, %mul3A_286 : vector<16xf32>
        %add3A_288 = arith.addf %add3A_285, %add3A_268 : vector<16xf32>
        %mul3A_289 = arith.mulf %add3A_268, %add3A_268 : vector<16xf32>
        %add3A_290 = arith.addf %add3A_287, %mul3A_289 : vector<16xf32>
        %gather3A = vector.shape_cast %reshape3A : vector<16x1xi32> to vector<16xi32>
        %gather3A_291 = tpu.dynamic_gather %add3A_288[%gather3A] in [0] : vector<16xf32>, vector<16xi32> -> vector<16xf32>
        %add3A_292 = arith.addf %add3A_288, %gather3A_291 : vector<16xf32>
        %gather3A_293 = vector.shape_cast %reshape3A_8 : vector<16x1xi32> to vector<16xi32>
        %gather3A_294 = tpu.dynamic_gather %add3A_292[%gather3A_293] in [0] : vector<16xf32>, vector<16xi32> -> vector<16xf32>
        %add3A_295 = arith.addf %add3A_292, %gather3A_294 : vector<16xf32>
        %gather3A_296 = vector.shape_cast %reshape3A_12 : vector<16x1xi32> to vector<16xi32>
        %gather3A_297 = tpu.dynamic_gather %add3A_295[%gather3A_296] in [0] : vector<16xf32>, vector<16xi32> -> vector<16xf32>
        %add3A_298 = arith.addf %add3A_295, %gather3A_297 : vector<16xf32>
        %gather3A_299 = vector.shape_cast %reshape3A_16 : vector<16x1xi32> to vector<16xi32>
        %gather3A_300 = tpu.dynamic_gather %add3A_298[%gather3A_299] in [0] : vector<16xf32>, vector<16xi32> -> vector<16xf32>
        %add3A_301 = arith.addf %add3A_298, %gather3A_300 : vector<16xf32>
        %gather3A_302 = vector.shape_cast %reshape3A : vector<16x1xi32> to vector<16xi32>
        %gather3A_303 = tpu.dynamic_gather %add3A_290[%gather3A_302] in [0] : vector<16xf32>, vector<16xi32> -> vector<16xf32>
        %add3A_304 = arith.addf %add3A_290, %gather3A_303 : vector<16xf32>
        %gather3A_305 = vector.shape_cast %reshape3A_8 : vector<16x1xi32> to vector<16xi32>
        %gather3A_306 = tpu.dynamic_gather %add3A_304[%gather3A_305] in [0] : vector<16xf32>, vector<16xi32> -> vector<16xf32>
        %add3A_307 = arith.addf %add3A_304, %gather3A_306 : vector<16xf32>
        %gather3A_308 = vector.shape_cast %reshape3A_12 : vector<16x1xi32> to vector<16xi32>
        %gather3A_309 = tpu.dynamic_gather %add3A_307[%gather3A_308] in [0] : vector<16xf32>, vector<16xi32> -> vector<16xf32>
        %add3A_310 = arith.addf %add3A_307, %gather3A_309 : vector<16xf32>
        %gather3A_311 = vector.shape_cast %reshape3A_16 : vector<16x1xi32> to vector<16xi32>
        %gather3A_312 = tpu.dynamic_gather %add3A_310[%gather3A_311] in [0] : vector<16xf32>, vector<16xi32> -> vector<16xf32>
        %add3A_313 = arith.addf %add3A_310, %gather3A_312 : vector<16xf32>
        %mul3A_314 = arith.constant 7.812500e-03 : f32
        %mul3A_315 = vector.broadcast %mul3A_314 : f32 to vector<16xf32>
        %mul3A_316 = arith.mulf %add3A_301, %mul3A_315 : vector<16xf32>
        %mul3A_317 = arith.constant 7.812500e-03 : f32
        %mul3A_318 = vector.broadcast %mul3A_317 : f32 to vector<16xf32>
        %mul3A_319 = arith.mulf %add3A_313, %mul3A_318 : vector<16xf32>
        %mul3A_320 = arith.mulf %mul3A_316, %mul3A_316 : vector<16xf32>
        %sub3A_321 = arith.subf %mul3A_319, %mul3A_320 : vector<16xf32>
        %max3A = arith.constant 0.000000e+00 : f32
        %max3A_322 = vector.broadcast %max3A : f32 to vector<16xf32>
        %max3A_323 = arith.maximumf %sub3A_321, %max3A_322 : vector<16xf32>
        %add3A_324 = arith.constant 9.99999996E-13 : f32
        %add3A_325 = vector.broadcast %add3A_324 : f32 to vector<16xf32>
        %add3A_326 = arith.addf %max3A_323, %add3A_325 : vector<16xf32>
        %bitcast_convert_type3A = tpu.bitcast %add3A_326 : vector<16xf32> -> vector<16xi32>
        %shift_right_arithmetic3A = arith.constant 1 : i32
        %shift_right_arithmetic3A_327 = vector.broadcast %shift_right_arithmetic3A : i32 to vector<16xi32>
        %shift_right_arithmetic3A_328 = arith.shrsi %bitcast_convert_type3A, %shift_right_arithmetic3A_327 : vector<16xi32>
        %sub3A_329 = arith.constant 1597463007 : i32
        %sub3A_330 = vector.broadcast %sub3A_329 : i32 to vector<16xi32>
        %sub3A_331 = arith.subi %sub3A_330, %shift_right_arithmetic3A_328 : vector<16xi32>
        %bitcast_convert_type3A_332 = tpu.bitcast %sub3A_331 : vector<16xi32> -> vector<16xf32>
        %mul3A_333 = arith.constant 5.000000e-01 : f32
        %mul3A_334 = vector.broadcast %mul3A_333 : f32 to vector<16xf32>
        %mul3A_335 = arith.mulf %mul3A_334, %add3A_326 : vector<16xf32>
        %mul3A_336 = arith.mulf %mul3A_335, %bitcast_convert_type3A_332 : vector<16xf32>
        %mul3A_337 = arith.mulf %mul3A_336, %bitcast_convert_type3A_332 : vector<16xf32>
        %sub3A_338 = arith.constant 1.500000e+00 : f32
        %sub3A_339 = vector.broadcast %sub3A_338 : f32 to vector<16xf32>
        %sub3A_340 = arith.subf %sub3A_339, %mul3A_337 : vector<16xf32>
        %mul3A_341 = arith.mulf %bitcast_convert_type3A_332, %sub3A_340 : vector<16xf32>
        %mul3A_342 = arith.constant 5.000000e-01 : f32
        %mul3A_343 = vector.broadcast %mul3A_342 : f32 to vector<16xf32>
        %mul3A_344 = arith.mulf %mul3A_343, %add3A_326 : vector<16xf32>
        %mul3A_345 = arith.mulf %mul3A_344, %mul3A_341 : vector<16xf32>
        %mul3A_346 = arith.mulf %mul3A_345, %mul3A_341 : vector<16xf32>
        %sub3A_347 = arith.constant 1.500000e+00 : f32
        %sub3A_348 = vector.broadcast %sub3A_347 : f32 to vector<16xf32>
        %sub3A_349 = arith.subf %sub3A_348, %mul3A_346 : vector<16xf32>
        %mul3A_350 = arith.mulf %mul3A_341, %sub3A_349 : vector<16xf32>
        %mul3A_351 = arith.constant 5.000000e-01 : f32
        %mul3A_352 = vector.broadcast %mul3A_351 : f32 to vector<16xf32>
        %mul3A_353 = arith.mulf %mul3A_352, %add3A_326 : vector<16xf32>
        %mul3A_354 = arith.mulf %mul3A_353, %mul3A_350 : vector<16xf32>
        %mul3A_355 = arith.mulf %mul3A_354, %mul3A_350 : vector<16xf32>
        %sub3A_356 = arith.constant 1.500000e+00 : f32
        %sub3A_357 = vector.broadcast %sub3A_356 : f32 to vector<16xf32>
        %sub3A_358 = arith.subf %sub3A_357, %mul3A_355 : vector<16xf32>
        %mul3A_359 = arith.mulf %mul3A_350, %sub3A_358 : vector<16xf32>
        %mul3A_360 = arith.mulf %mul3A_316, %mul3A_359 : vector<16xf32>
        %mul3A_361 = arith.mulf %add3A_205, %mul3A_359 : vector<16xf32>
        %sub3A_362 = arith.subf %mul3A_361, %mul3A_360 : vector<16xf32>
        %mul3A_363 = arith.mulf %sub3A_362, %get3A_18 : vector<16xf32>
        %add3A_364 = arith.addf %mul3A_363, %get3A_42 : vector<16xf32>
        %swap3A = arith.index_cast %scan3A_196 : i32 to index
        %swap3A_365 = arith.constant 0 : index
        %swap3A_366 = tpu.vector_load %arg11[%swap3A, %swap3A_365] {strides = array<i32>} : memref<200x128xf32, #tpu.memory_space<vmem>>, vector<1x16xf32>,
        %swap3A_367 = vector.shape_cast %swap3A_366 : vector<1x16xf32> to vector<16xf32>
        %swap3A_368 = vector.shape_cast %add3A_364 : vector<16xf32> to vector<1x16xf32>
        tpu.vector_store %arg11[%swap3A, %swap3A_365], %swap3A_368 {strides = array<i32>} : memref<200x128xf32, #tpu.memory_space<vmem>>, vector<1x16xf32>,
        %mul3A_369 = arith.mulf %add3A_214, %mul3A_359 : vector<16xf32>
        %sub3A_370 = arith.subf %mul3A_369, %mul3A_360 : vector<16xf32>
        %mul3A_371 = arith.mulf %sub3A_370, %get3A_21 : vector<16xf32>
        %add3A_372 = arith.addf %mul3A_371, %get3A_45 : vector<16xf32>
        %swap3A_373 = arith.index_cast %scan3A_196 : i32 to index
        %swap3A_374 = arith.constant 16 : index
        %swap3A_375 = tpu.vector_load %arg11[%swap3A_373, %swap3A_374] {strides = array<i32>} : memref<200x128xf32, #tpu.memory_space<vmem>>, vector<1x16xf32>,
        %swap3A_376 = vector.shape_cast %swap3A_375 : vector<1x16xf32> to vector<16xf32>
        %swap3A_377 = vector.shape_cast %add3A_372 : vector<16xf32> to vector<1x16xf32>
        tpu.vector_store %arg11[%swap3A_373, %swap3A_374], %swap3A_377 {strides = array<i32>} : memref<200x128xf32, #tpu.memory_space<vmem>>, vector<1x16xf32>,
        %mul3A_378 = arith.mulf %add3A_223, %mul3A_359 : vector<16xf32>
        %sub3A_379 = arith.subf %mul3A_378, %mul3A_360 : vector<16xf32>
        %mul3A_380 = arith.mulf %sub3A_379, %get3A_24 : vector<16xf32>
        %add3A_381 = arith.addf %mul3A_380, %get3A_48 : vector<16xf32>
        %swap3A_382 = arith.index_cast %scan3A_196 : i32 to index
        %swap3A_383 = arith.constant 32 : index
        %swap3A_384 = tpu.vector_load %arg11[%swap3A_382, %swap3A_383] {strides = array<i32>} : memref<200x128xf32, #tpu.memory_space<vmem>>, vector<1x16xf32>,
        %swap3A_385 = vector.shape_cast %swap3A_384 : vector<1x16xf32> to vector<16xf32>
        %swap3A_386 = vector.shape_cast %add3A_381 : vector<16xf32> to vector<1x16xf32>
        tpu.vector_store %arg11[%swap3A_382, %swap3A_383], %swap3A_386 {strides = array<i32>} : memref<200x128xf32, #tpu.memory_space<vmem>>, vector<1x16xf32>,
        %mul3A_387 = arith.mulf %add3A_232, %mul3A_359 : vector<16xf32>
        %sub3A_388 = arith.subf %mul3A_387, %mul3A_360 : vector<16xf32>
        %mul3A_389 = arith.mulf %sub3A_388, %get3A_27 : vector<16xf32>
        %add3A_390 = arith.addf %mul3A_389, %get3A_51 : vector<16xf32>
        %swap3A_391 = arith.index_cast %scan3A_196 : i32 to index
        %swap3A_392 = arith.constant 48 : index
        %swap3A_393 = tpu.vector_load %arg11[%swap3A_391, %swap3A_392] {strides = array<i32>} : memref<200x128xf32, #tpu.memory_space<vmem>>, vector<1x16xf32>,
        %swap3A_394 = vector.shape_cast %swap3A_393 : vector<1x16xf32> to vector<16xf32>
        %swap3A_395 = vector.shape_cast %add3A_390 : vector<16xf32> to vector<1x16xf32>
        tpu.vector_store %arg11[%swap3A_391, %swap3A_392], %swap3A_395 {strides = array<i32>} : memref<200x128xf32, #tpu.memory_space<vmem>>, vector<1x16xf32>,
        %mul3A_396 = arith.mulf %add3A_241, %mul3A_359 : vector<16xf32>
        %sub3A_397 = arith.subf %mul3A_396, %mul3A_360 : vector<16xf32>
        %mul3A_398 = arith.mulf %sub3A_397, %get3A_30 : vector<16xf32>
        %add3A_399 = arith.addf %mul3A_398, %get3A_54 : vector<16xf32>
        %swap3A_400 = arith.index_cast %scan3A_196 : i32 to index
        %swap3A_401 = arith.constant 64 : index
        %swap3A_402 = tpu.vector_load %arg11[%swap3A_400, %swap3A_401] {strides = array<i32>} : memref<200x128xf32, #tpu.memory_space<vmem>>, vector<1x16xf32>,
        %swap3A_403 = vector.shape_cast %swap3A_402 : vector<1x16xf32> to vector<16xf32>
        %swap3A_404 = vector.shape_cast %add3A_399 : vector<16xf32> to vector<1x16xf32>
        tpu.vector_store %arg11[%swap3A_400, %swap3A_401], %swap3A_404 {strides = array<i32>} : memref<200x128xf32, #tpu.memory_space<vmem>>, vector<1x16xf32>,
        %mul3A_405 = arith.mulf %add3A_250, %mul3A_359 : vector<16xf32>
        %sub3A_406 = arith.subf %mul3A_405, %mul3A_360 : vector<16xf32>
        %mul3A_407 = arith.mulf %sub3A_406, %get3A_33 : vector<16xf32>
        %add3A_408 = arith.addf %mul3A_407, %get3A_57 : vector<16xf32>
        %swap3A_409 = arith.index_cast %scan3A_196 : i32 to index
        %swap3A_410 = arith.constant 80 : index
        %swap3A_411 = tpu.vector_load %arg11[%swap3A_409, %swap3A_410] {strides = array<i32>} : memref<200x128xf32, #tpu.memory_space<vmem>>, vector<1x16xf32>,
        %swap3A_412 = vector.shape_cast %swap3A_411 : vector<1x16xf32> to vector<16xf32>
        %swap3A_413 = vector.shape_cast %add3A_408 : vector<16xf32> to vector<1x16xf32>
        tpu.vector_store %arg11[%swap3A_409, %swap3A_410], %swap3A_413 {strides = array<i32>} : memref<200x128xf32, #tpu.memory_space<vmem>>, vector<1x16xf32>,
        %mul3A_414 = arith.mulf %add3A_259, %mul3A_359 : vector<16xf32>
        %sub3A_415 = arith.subf %mul3A_414, %mul3A_360 : vector<16xf32>
        %mul3A_416 = arith.mulf %sub3A_415, %get3A_36 : vector<16xf32>
        %add3A_417 = arith.addf %mul3A_416, %get3A_60 : vector<16xf32>
        %swap3A_418 = arith.index_cast %scan3A_196 : i32 to index
        %swap3A_419 = arith.constant 96 : index
        %swap3A_420 = tpu.vector_load %arg11[%swap3A_418, %swap3A_419] {strides = array<i32>} : memref<200x128xf32, #tpu.memory_space<vmem>>, vector<1x16xf32>,
        %swap3A_421 = vector.shape_cast %swap3A_420 : vector<1x16xf32> to vector<16xf32>
        %swap3A_422 = vector.shape_cast %add3A_417 : vector<16xf32> to vector<1x16xf32>
        tpu.vector_store %arg11[%swap3A_418, %swap3A_419], %swap3A_422 {strides = array<i32>} : memref<200x128xf32, #tpu.memory_space<vmem>>, vector<1x16xf32>,
        %mul3A_423 = arith.mulf %add3A_268, %mul3A_359 : vector<16xf32>
        %sub3A_424 = arith.subf %mul3A_423, %mul3A_360 : vector<16xf32>
        %mul3A_425 = arith.mulf %sub3A_424, %get3A_39 : vector<16xf32>
        %add3A_426 = arith.addf %mul3A_425, %get3A_63 : vector<16xf32>
        %swap3A_427 = arith.index_cast %scan3A_196 : i32 to index
        %swap3A_428 = arith.constant 112 : index
        %swap3A_429 = tpu.vector_load %arg11[%swap3A_427, %swap3A_428] {strides = array<i32>} : memref<200x128xf32, #tpu.memory_space<vmem>>, vector<1x16xf32>,
        %swap3A_430 = vector.shape_cast %swap3A_429 : vector<1x16xf32> to vector<16xf32>
        %swap3A_431 = vector.shape_cast %add3A_426 : vector<16xf32> to vector<1x16xf32>
        tpu.vector_store %arg11[%swap3A_427, %swap3A_428], %swap3A_431 {strides = array<i32>} : memref<200x128xf32, #tpu.memory_space<vmem>>, vector<1x16xf32>,
      }
      %scan3A_187 = arith.constant 200 : i32
      %dma_start3A_188 = arith.constant 0 : i32
      %dma_start3A_189 = arith.constant 0 : i32
      %dma_start3A_190 = tpu.memref_slice %arg7[%add3A_154, %dma_start3A_188, %dma_start3A_189] : memref<1024x200x128xf32, #tpu.memory_space<hbm>> -> memref<1x200x128xf32, #tpu.memory_space<hbm>>
      %dma_start3A_191 = tpu.memref_squeeze %dma_start3A_190 : memref<1x200x128xf32, #tpu.memory_space<hbm>> -> memref<200x128xf32, #tpu.memory_space<hbm>>
      %dma_start3A_192 = arith.constant 0 : i32
      %dma_start3A_193 = arith.constant 0 : i32
      %dma_start3A_194 = tpu.memref_slice %arg7[%add3A_154, %dma_start3A_192, %dma_start3A_193] : memref<1024x200x128xf32, #tpu.memory_space<hbm>> -> memref<1x200x128xf32, #tpu.memory_space<hbm>>
      %dma_start3A_195 = tpu.memref_squeeze %dma_start3A_194 : memref<1x200x128xf32, #tpu.memory_space<hbm>> -> memref<200x128xf32, #tpu.memory_space<hbm>>
      tpu.enqueue_dma source(%arg11 : memref<200x128xf32, #tpu.memory_space<vmem>>) target(%dma_start3A_195 : memref<200x128xf32, #tpu.memory_space<hbm>>) target_semaphore(%arg18 : memref<!tpu.dma_semaphore, #tpu.memory_space<semaphore_mem>>)
    }
    %scan3A_87 = arith.constant 16 : i32
    %add3A_88 = arith.constant 32 : i32
    %add3A_89 = arith.addi %mul3A_2, %add3A_88 : i32
    %sub3A = arith.constant 2 : i32
    %sub3A_90 = arith.subi %add3A_89, %sub3A : i32
    %dma_wait3A = arith.constant 0 : i32
    %dma_wait3A_91 = arith.constant 0 : i32
    %dma_wait3A_92 = tpu.memref_slice %arg7[%sub3A_90, %dma_wait3A, %dma_wait3A_91] : memref<1024x200x128xf32, #tpu.memory_space<hbm>> -> memref<1x200x128xf32, #tpu.memory_space<hbm>>
    %dma_wait3A_93 = tpu.memref_squeeze %dma_wait3A_92 : memref<1x200x128xf32, #tpu.memory_space<hbm>> -> memref<200x128xf32, #tpu.memory_space<hbm>>
    %dma_wait3A_94 = arith.constant 0 : i32
    %dma_wait3A_95 = arith.constant 0 : i32
    %dma_wait3A_96 = tpu.memref_slice %arg7[%sub3A_90, %dma_wait3A_94, %dma_wait3A_95] : memref<1024x200x128xf32, #tpu.memory_space<hbm>> -> memref<1x200x128xf32, #tpu.memory_space<hbm>>
    %dma_wait3A_97 = tpu.memref_squeeze %dma_wait3A_96 : memref<1x200x128xf32, #tpu.memory_space<hbm>> -> memref<200x128xf32, #tpu.memory_space<hbm>>
    tpu.wait_dma2 semaphore(%arg17 : memref<!tpu.dma_semaphore, #tpu.memory_space<semaphore_mem>>) src(%arg10 : memref<200x128xf32, #tpu.memory_space<vmem>>) dst(%dma_wait3A_97 : memref<200x128xf32, #tpu.memory_space<hbm>>)
    %add3A_98 = arith.constant 32 : i32
    %add3A_99 = arith.addi %mul3A_2, %add3A_98 : i32
    %sub3A_100 = arith.constant 1 : i32
    %sub3A_101 = arith.subi %add3A_99, %sub3A_100 : i32
    %dma_wait3A_102 = arith.constant 0 : i32
    %dma_wait3A_103 = arith.constant 0 : i32
    %dma_wait3A_104 = tpu.memref_slice %arg7[%sub3A_101, %dma_wait3A_102, %dma_wait3A_103] : memref<1024x200x128xf32, #tpu.memory_space<hbm>> -> memref<1x200x128xf32, #tpu.memory_space<hbm>>
    %dma_wait3A_105 = tpu.memref_squeeze %dma_wait3A_104 : memref<1x200x128xf32, #tpu.memory_space<hbm>> -> memref<200x128xf32, #tpu.memory_space<hbm>>
    %dma_wait3A_106 = arith.constant 0 : i32
    %dma_wait3A_107 = arith.constant 0 : i32
    %dma_wait3A_108 = tpu.memref_slice %arg7[%sub3A_101, %dma_wait3A_106, %dma_wait3A_107] : memref<1024x200x128xf32, #tpu.memory_space<hbm>> -> memref<1x200x128xf32, #tpu.memory_space<hbm>>
    %dma_wait3A_109 = tpu.memref_squeeze %dma_wait3A_108 : memref<1x200x128xf32, #tpu.memory_space<hbm>> -> memref<200x128xf32, #tpu.memory_space<hbm>>
    tpu.wait_dma2 semaphore(%arg18 : memref<!tpu.dma_semaphore, #tpu.memory_space<semaphore_mem>>) src(%arg11 : memref<200x128xf32, #tpu.memory_space<vmem>>) dst(%dma_wait3A_109 : memref<200x128xf32, #tpu.memory_space<hbm>>)
    return
  }
}

</mosaic_0001>

<sc_bundles>
// kernel: kernel.3.cloned.1.call-start
scs
__scs_entry_jumppad:
0x0: {  	(pc) =	sbr.rel $0x88, $3  }
0x1: {  	(tag) =	ssettag $0x0;
	lr =	simm.s32 $0x1  }
0x2: {  	[smem:$0x3F9C] =	sst lr;
	_ =	strace $0xD0000000  }
0x3: {  	_ = 	snop  }
0x4: {  	_ = 	snop  }
0x5: {  	_ = 	snop  }
0x6: {  	_ = 	snop  }
0x7: {  	_ = 	snop  }
__scs_overlays_trampoline_lowered:
0x8: {  	[smem:$0x3FAB] =	sst s0  }
0x9: {  	[smem:$0x3FAC] =	sst s1  }
0xa: {  	[smem:$0x3FAD] =	sst s2  }
0xb: {  	[smem:$0x3FAE] =	sst s3  }
0xc: {  	[smem:$0x3FAF] =	sst s4  }
0xd: {  	[smem:$0x3FB0] =	sst s5  }
0xe: {  	[smem:$0x3FB1] =	sst s6  }
0xf: {  	[smem:$0x3FB2] =	sst s7  }
0x10: {  	[smem:$0x3FB3] =	sst s8  }
0x11: {  	[smem:$0x3FB4] =	sst s9;
	s0 =	simm.s32 @!p0 $0x0  }
0x12: {  	s1 =	sld [smem:$0x3F9A];
	s0 =	simm.s32 @p0 $0x1  }
0x13: {  	[smem:$0x3FB5] =	sst s0;
	s0 =	simm.s32 @!p1 $0x0  }
0x14: {  	s2 =	sld [smem:$0x3F99];
	s0 =	simm.s32 @p1 $0x1  }
0x15: {  	[smem:$0x3FB6] =	sst s0;
	s0 =	simm.s32 @!p2 $0x0  }
0x16: {  	s3 =	sld [smem:$0x3FDB];
	s0 =	simm.s32 @p2 $0x1  }
0x17: {  	s4 =	simm.s32 $0x1BF5;
	[smem:$0x3FB8] =	sst s0  }
0x18: {  	s0 =	sld [smem:$0x3F9B];
	_ =	swait.ge [sflag:s4], $0x0  }
0x19: {  	s7 =	sld [smem:$0x3F9C]  }
0x1a: {  	s8 =	sadd.s32 $0xFFFFE003, lr  }
0x1b: {  	s9 =	sadd.s32 $0xFFFFFEF7, lr;
	s5 =	simm.s32 $0xFFFFFFFF;
	p2 =	slt.u32 s8, $0xFFFFF086  }
0x1c: {  	p1 =	slt.u32 s9, $0xF7A;
	s5 =	simm.s32 @!p2 $0x0  }
0x1d: {  	s5 =	simm.s32 @p1 $0x1;
	p0 =	seq.s32 s7, s2  }
0x1e: {  	s7 =	smul.u32 @!p0 $0xF7A, s2;
	p2 =	seq.s32 @!p0 s5, $0x0  }
0x1f: {  	s9 =	smul.u32 $0xF7A, s1;
	s8 =	simm.s32 @!p0 $0x1BF5;
	p2 =	por !p2, p0  }
0x20: {  	[sflag:s8] =	ssyncset.s32 @!p0 $0xFFFFF086;
	s6 =	sadd.s32 @!p0 s3, s7;
	s7 =	simm.s32 @!p0 $0x108  }
0x21: {  	s3 =	sadd.s32 s3, s9;
	s6 =	sadd.s32 @!p0 $0x88, s6;
	s7 =	simm.s32 @p2 $0x1082  }
0x22: {  	[simem:s7], [sflag:s8] =	dma.local @!p0 [hbm:s6], $0xF7A  }
0x23: {  	s9 =	sor.u32 $0xD0000000, s2;
	s6 =	simm.s32 $0x108;
	_ =	swait.ge @!p0 [sflag:s8], $0x0  }
0x24: {  	s3 =	sadd.s32 $0x88, s3;
	s6 =	simm.s32 @!p1 $0x1082;
	[sflag:s4] =	ssyncset.s32 $0xFFFFF086  }
0x25: {  	[simem:s6], [sflag:s4] =	dma.local [hbm:s3], $0xF7A  }
0x26: {  	[smem:$0x3F9C] =	sst s1;
	(tag) =	ssettag s2;
	_ =	strace s9  }
0x27: {  	s1 =	sld [smem:$0x3FAC]  }
0x28: {  	s2 =	sld [smem:$0x3FAD]  }
0x29: {  	s4 =	sld [smem:$0x3FAF]  }
0x2a: {  	p0 =	seq.s32 s5, $0x0;
	s5 =	sld [smem:$0x3FB0]  }
0x2b: {  	s6 =	sld [smem:$0x3FB1]  }
0x2c: {  	s7 =	sld [smem:$0x3FB2]  }
0x2d: {  	s3 =	simm.s32 $0x108;
	s8 =	sld [smem:$0x3FB3]  }
0x2e: {  	s3 =	simm.s32 @!p0 $0x1082;
	s9 =	sld [smem:$0x3FB4]  }
0x2f: {  	lr =	sadd.s32 s0, s3;
	s0 =	sld [smem:$0x3FAB]  }
0x30: {  	s3 =	sld [smem:$0x3FAE]  }
0x31: {  	[smem:$0x3FB7] =	sst s10  }
0x32: {  	s10 =	sld [smem:$0x3FB5];
	_ =	sdelay $0x3  }
0x33: {  	p0 =	seq.s32 s10, $0x1;
	s10 =	sld [smem:$0x3FB7];
	_ =	sdelay $0x3  }
0x34: {  	[smem:$0x3FB7] =	sst s10  }
0x35: {  	s10 =	sld [smem:$0x3FB6];
	_ =	sdelay $0x3  }
0x36: {  	p1 =	seq.s32 s10, $0x1;
	s10 =	sld [smem:$0x3FB7];
	_ =	sdelay $0x3  }
0x37: {  	[smem:$0x3FB7] =	sst s10  }
0x38: {  	s10 =	sld [smem:$0x3FB8]  }
0x39: {  	_ = 	snop;
	(pc) =	sbr.ind lr, $3  }
0x3a: {  	_ = 	snop  }
0x3b: {  	_ = 	snop  }
0x3c: {  	p2 =	seq.s32 s10, $0x1;
	s10 =	sld [smem:$0x3FB7]  }
0x3d: {  	_ =	shalt  }
0x3e: {  	_ =	shalt  }
0x3f: {  	_ =	shalt  }
0x40: {  	_ =	shalt  }
0x41: {  	_ =	shalt  }
0x42: {  	_ =	shalt  }
0x43: {  	_ =	shalt  }
0x44: {  	_ =	shalt  }
0x45: {  	_ =	shalt  }
0x46: {  	_ =	shalt  }
0x47: {  	_ =	shalt  }
0x48: {  	_ =	shalt  }
0x49: {  	_ =	shalt  }
0x4a: {  	_ =	shalt  }
0x4b: {  	_ =	shalt  }
0x4c: {  	_ =	shalt  }
0x4d: {  	_ =	shalt  }
0x4e: {  	_ =	shalt  }
0x4f: {  	_ =	shalt  }
0x50: {  	_ =	shalt  }
0x51: {  	_ =	shalt  }
0x52: {  	_ =	shalt  }
0x53: {  	_ =	shalt  }
0x54: {  	_ =	shalt  }
0x55: {  	_ =	shalt  }
0x56: {  	_ =	shalt  }
0x57: {  	_ =	shalt  }
0x58: {  	_ =	shalt  }
0x59: {  	_ =	shalt  }
0x5a: {  	_ =	shalt  }
0x5b: {  	_ =	shalt  }
0x5c: {  	_ =	shalt  }
0x5d: {  	_ =	shalt  }
0x5e: {  	_ =	shalt  }
0x5f: {  	_ =	shalt  }
0x60: {  	_ =	shalt  }
0x61: {  	_ =	shalt  }
0x62: {  	_ =	shalt  }
0x63: {  	_ =	shalt  }
0x64: {  	_ =	shalt  }
0x65: {  	_ =	shalt  }
0x66: {  	_ =	shalt  }
0x67: {  	_ =	shalt  }
0x68: {  	_ =	shalt  }
0x69: {  	_ =	shalt  }
0x6a: {  	_ =	shalt  }
0x6b: {  	_ =	shalt  }
0x6c: {  	_ =	shalt  }
0x6d: {  	_ =	shalt  }
0x6e: {  	_ =	shalt  }
0x6f: {  	_ =	shalt  }
0x70: {  	_ =	shalt  }
0x71: {  	_ =	shalt  }
0x72: {  	_ =	shalt  }
0x73: {  	_ =	shalt  }
0x74: {  	_ =	shalt  }
0x75: {  	_ =	shalt  }
0x76: {  	_ =	shalt  }
0x77: {  	_ =	shalt  }
0x78: {  	_ =	shalt  }
0x79: {  	_ =	shalt  }
0x7a: {  	_ =	shalt  }
0x7b: {  	_ =	shalt  }
0x7c: {  	_ =	shalt  }
0x7d: {  	_ =	shalt  }
0x7e: {  	_ =	shalt  }
0x7f: {  	_ =	shalt  }
0x80: {  	_ =	shalt  }
0x81: {  	_ =	shalt  }
0x82: {  	_ =	shalt  }
0x83: {  	_ =	shalt  }
0x84: {  	_ =	shalt  }
0x85: {  	_ =	shalt  }
0x86: {  	_ =	shalt  }
0x87: {  	_ =	shalt  }
.Lfunc_end0:
.L_simem_size_0:
called_computation_lowered:
.L_overlay_start_0:
0x88: {  	s2 =	sld [smem:$0x3FD9]  }
0x89: {  	s3 =	sld [smem:$0x3FFE];
	_ =	sdelay $0x1  }
0x8a: {  	s1 =	srdreg.scid  }
0x8b: {  	s0 =	sand.u32 $0x1, s1  }
0x8c: {  	s17 =	sshll.u32 s0, $0xA;
	s2 =	sadd.s32 s3, s2  }
0x8d: {  	s2 =	sadd.s32 s2, s17  }
0x8e: {  	[smem:$0x3FC3] =	sst s2  }
0x8f: {  	_ = 	snop  }
0x90: {  	s2 =	sld [smem:$0x3FC8]  }
0x91: {  	s18 =	sld [smem:$0x3FC7]  }
0x92: {  	s4 =	sld [smem:$0x3FC6]  }
0x93: {  	s5 =	sld [smem:$0x3FC5]  }
0x94: {  	s6 =	sld [smem:$0x3FD0];
	(tm) =	ssettm $0x1  }
0x95: {  	s7 =	sld [smem:$0x3FFB];
	_ =	sdelay $0x3  }
0x96: {  	_ =	strace s7  }
0x97: {  	s7 =	sld [smem:$0x3FFC];
	_ =	sdelay $0x3  }
0x98: {  	_ =	strace s7  }
0x99: {  	s7 =	sld [smem:$0x3FFD];
	_ =	sdelay $0x3  }
0x9a: {  	_ =	strace s7  }
0x9b: {  	_ =	strace $0x8FFFFFFF  }
0x9c: {  	s19 =	sld [smem:$0x3FDB];
	_ =	sdelay $0x1  }
0x9d: {  	s8 =	simm.s32 $_scs_section_size  }
0x9e: {  	s9 =	simm.s32 $_size__tile_overlayer_lowered;
	s10 =	simm.s32 $_tile_overlayer_lowered  }
0x9f: {  	s22 =	simm.s32 $0x1BFF;
	s21 =	sshll.u32 s10, $0x1;
	s7 =	sadd.s32 s8, s19  }
0xa0: {  	s11 =	simm.s32 $0x0;
	s20 =	sshll.u32 s9, $0x1;
	s9 =	sadd.s32 s21, s7  }
0xa1: {  	[timem:s11], [sflag:s22] =	dma.local [hbm:s9], s20  }
0xa2: {  	_ =	swait.ge [sflag:s22], s20  }
0xa3: {  	s8 =	ssub.s32 $0x0, s20;
	[sflag:s22] =	ssyncset.done $0x0  }
0xa4: {  	[sflag:s22] =	ssyncadd.s32 s8;
	_ =	sdelay $0x1  }
0xa5: {  	s23 =	simm.s32 $0x1B8B  }
0xa6: {  	_ =	swait.ge [sflag:s23], $0x1  }
0xa7: {  	[sflag:s23] =	ssyncset.done $0x0  }
0xa8: {  	s25 =	simm.s32 $0x1B8E;
	s24 =	sld [smem:$0x3FFE];
	[sflag:s23] =	ssyncadd.s32 $0xFFFFFFFF  }
0xa9: {  	s26 =	simm.s32 $execute0_lowered;
	[smem:$0x3FD2] =	sst s25  }
0xaa: {  	s9 =	sshll.u32 s26, $0x1;
	_ =	strace $0x80000046;
	[dreg:$0x1] =	wrdreg $0xFFFFFFFF  }
0xab: {  	s28 =	simm.s32 $_size_execute0_lowered;
	s7 =	sadd.s32 s7, s9;
	[dreg:$0x0] =	wrdreg $0x0  }
0xac: {  	s9 =	sshll.u32 s28, $0x1;
	[dreg:$0x2] =	wrdreg s7  }
0xad: {  	[dreg:$0x3] =	wrdreg s9  }
0xae: {  	[dreg:$0x4] =	wrdreg $0xC0  }
0xaf: {  	_ =	task [dreg:s11], $0x5FFFF  }
0xb0: {  	[dreg:$0x1] =	wrdreg $0xFFFFFFFF  }
0xb1: {  	[dreg:$0x0] =	wrdreg $0x60  }
0xb2: {  	[dreg:$0x2] =	wrdreg s24  }
0xb3: {  	[dreg:$0x3] =	wrdreg s2  }
0xb4: {  	[dreg:$0x4] =	wrdreg s18  }
0xb5: {  	[dreg:$0x5] =	wrdreg s4  }
0xb6: {  	[dreg:$0x6] =	wrdreg s5  }
0xb7: {  	[dreg:$0x7] =	wrdreg s6  }
0xb8: {  	[dreg:$0x8] =	wrdreg $0x9  }
0xb9: {  	_ =	task.clear_ibuf [dreg:s11], $0x9FFFF;
	_ =	strace $0x90000046  }
0xba: {  	s29 =	simm.s32 $0x9;
	_ =	strace $0x80000048  }
0xbb: {  	_ =	swait.ge [sflag:s29], $0x1  }
0xbc: {  	[sflag:s29] =	ssyncadd.s32 $0xFFFFFFFF  }
0xbd: {  	_ =	strace $0x90000048  }
0xbe: {  	_ =	sfence  }
0xbf: {  	s30 =	sld [smem:$0x0];
	_ =	sdelay $0x2  }
0xc0: {  	s31 =	sshll.u32 s1, $0xD;
	s1 =	sshrl.u32 s1, $0x2  }
0xc1: {  	s3 =	sand.u32 $0x4000, s31;
	s1 =	sadd.s32 s1, s30  }
0xc2: {  	s0 =	sor.u32 s3, s0;
	s1 =	sshll.u32 s1, $0x11  }
0xc3: {  	s0 =	sor.u32 s1, s0  }
0xc4: {  	s0 =	sadd.s32 $0x8F2B, s0  }
0xc5: {  	[sflag:s0] =	ssyncadd.remote.s32 $0x1  }
0xc6: {  	_ =	sfence.sel $0xFFFF  }
0xc7: {  	[dreg:$0x0] =	wrdreg $0xFFFFFFFF;
	(pc) =	sbr.abs _section_cstart, $3  }
0xc8: {  	[dreg:$0x1] =	wrdreg $0xFFFFFFFF  }
0xc9: {  	_ =	task.clear_ibuf [dreg:s11], $0x2FFFF;
	_ =	strace $0x9FFFFFFF  }
0xca: {  	(tm) =	ssettm $0x7FFFFFFF  }
0xcb: {  	_ =	shalt  }
tec
execute0_lowered:
.L_overlay_start_1:
0x0: {  	(tag) =	ssettag $0x1  }
0x1: {  	s1 =	rddreg [dreg:$0x0]  }
0x2: {  	s0 =	rddreg [dreg:$0x1]  }
0x3: {  	s3 =	rddreg [dreg:$0x3];
	s2 =	srdreg.scid  }
0x4: {  	v0 =	vimm.s32 $0xEFCDAB89;
	s4 =	rddreg [dreg:$0x4];
	s5 =	stileid.u32;
	v1 =	vimm.s32 $0x67452301;
	v2 =	vimm.s32 $0xDCFE98BA  }
0x5: {  	s6 =	rddreg [dreg:$0x5];
	s7 =	simm.s32 $0x0;
	v3 =	vimm.s32 $0x54761032;
	v4 =	vimm.s32 $0xBA98FEDC;
	s12 =	simm.s32 $0xCA00  }
0x6: {  	v5 =	vimm.s32 $0x32107654;
	v6 =	vimm.s32 $0xFEDCBA98;
	s13 =	simm.s32 $0x5;
	s14 =	simm.s32 $0x12E00;
	s15 =	simm.s32 $0x12E80  }
0x7: {  	v7 =	vimm.s32 $0x76543210;
	s16 =	simm.s32 $0x64;
	s17 =	simm.s32 $0x200;
	s18 =	simm.s32 $0x80;
	v0 =	vunpack.c.l.s4.s8 v0;
	v1 =	vunpack.c.l.s4.s8 v1  }
0x8: {  	s19 =	simm.s32 $0x3400;
	s20 =	simm.s32 $0x100;
	s21 =	simm.s32 $0x6600;
	v2 =	vunpack.c.l.s4.s8 v2;
	v3 =	vunpack.c.l.s4.s8 v3;
	v4 =	vunpack.c.l.s4.s8 v4  }
0x9: {  	s22 =	simm.s32 $0x180;
	s23 =	simm.s32 $0x9800;
	s24 =	simm.s32 $0x1;
	v5 =	vunpack.c.l.s4.s8 v5;
	v6 =	vunpack.c.l.s4.s8 v6;
	v7 =	vunpack.c.l.s4.s8 v7  }
0xa: {  	s25 =	simm.s32 $0x2;
	s26 =	simm.s32 $0x3;
	s2 =	sand.u32 $0x1, s2;
	v0 =	vunpack.c.0.s8.s32 v0;
	v1 =	vunpack.c.0.s8.s32 v1;
	v2 =	vunpack.c.0.s8.s32 v2  }
0xb: {  	s28 =	simm.s32 $0x4;
	s5 =	sshll.u32 s5, $0x6;
	s8 =	sshll.u32 s2, $0x5;
	v3 =	vunpack.c.0.s8.s32 v3;
	v4 =	vunpack.c.0.s8.s32 v4;
	v5 =	vunpack.c.0.s8.s32 v5  }
0xc: {  	s29 =	simm.s32 $0x0;
	s2 =	ssub.s32 $0x2, s2;
	s8 =	sor.u32 s8, s5;
	v0 =	vcombine.low v1, v0;
	v1 =	vunpack.c.0.s8.s32 v6  }
0xd: {  	[smem:$0x7FF] =	sst s7;
	s9 =	sshrl.u32 s2, $0x1;
	s5 =	sshll.u32 s8, $0x5;
	v2 =	vcombine.low v3, v2;
	v3 =	vcombine.low v5, v4;
	v4 =	vunpack.c.0.s8.s32 v7  }
0xe: {  	s10 =	sadd.s32 $0x420, s1;
	s2 =	ssub.s32 s2, s9;
	s5 =	sadd.s32 s5, s1;
	v0 =	vand.u32 $0xF, v0;
	v5 =	vand.u32 $0xF, v1  }
0xf: {  	_ =	strace $0x80000047;
	s11 =	smax.u32 s2, $0x1;
	s9 =	sadd.s32 $0x400, s5;
	v1 =	vand.u32 $0xF, v2;
	v2 =	vand.u32 $0xF, v3;
	v3 =	vcombine.low v5, v4  }
.LBB2_1:
0x10: {  	s1 =	rddreg [dreg:$0x2]  }
0x11: {  	[tilespmem:s12], [sflag:$0x5] =	stream.linear.gather [hbm4b:s1+s7], $0x6400, $0x38;
	[tilespmem:$0x12F00] =	vst v63  }
0x12: {  	_ =	swait.ge [sflag:s13], $0x6400  }
0x13: {  	[sflag:s13] =	ssyncset.done $0x0  }
0x14: {  	[sflag:s13] =	ssyncadd.s32 $0xFFFF9C00  }
0x15: {  	[tilespmem:s14], [sflag:$0x5] =	stream.linear.gather [hbm4b:s3+s7], $0x80, $0x38;
	[tilespmem:$0x12F00] =	vst v63  }
0x16: {  	_ =	swait.ge [sflag:s13], $0x80  }
0x17: {  	[sflag:s13] =	ssyncset.done $0x0  }
0x18: {  	[sflag:s13] =	ssyncadd.s32 $0xFFFFFF80  }
0x19: {  	[tilespmem:s15], [sflag:$0x5] =	stream.linear.gather [hbm4b:s4+s7], $0x80, $0x38;
	[tilespmem:$0x12F00] =	vst v63  }
0x1a: {  	_ =	swait.ge [sflag:s13], $0x80  }
0x1b: {  	[sflag:s13] =	ssyncset.done $0x0  }
0x1c: {  	[sflag:s13] =	ssyncadd.s32 $0xFFFFFF80  }
0x1d: {  	v4 =	vld [tilespmem:$0x12E00]  }
0x1e: {  	v5 =	vld [tilespmem:$0x12E10]  }
0x1f: {  	v6 =	vld [tilespmem:$0x12E20]  }
0x20: {  	v7 =	vld [tilespmem:$0x12E30]  }
0x21: {  	v8 =	vld [tilespmem:$0x12E40]  }
0x22: {  	v9 =	vld [tilespmem:$0x12E50]  }
0x23: {  	v10 =	vld [tilespmem:$0x12E60]  }
0x24: {  	v11 =	vld [tilespmem:$0x12E70]  }
0x25: {  	v12 =	vld [tilespmem:$0x12E80]  }
0x26: {  	v13 =	vld [tilespmem:$0x12E90]  }
0x27: {  	v14 =	vld [tilespmem:$0x12EA0]  }
0x28: {  	v15 =	vld [tilespmem:$0x12EB0]  }
0x29: {  	v16 =	vld [tilespmem:$0x12EC0]  }
0x2a: {  	v17 =	vld [tilespmem:$0x12ED0]  }
0x2b: {  	v18 =	vld [tilespmem:$0x12EE0]  }
0x2c: {  	v19 =	vld [tilespmem:$0x12EF0];
	[tilespmem:s7], [sflag:$0x5] =	stream.linear.gather [hbm4b:s9+s7], $0x100, $0x38  }
0x2d: {  	_ =	swait.ge [sflag:s13], $0x100  }
0x2e: {  	[sflag:s13] =	ssyncset.done $0x0  }
0x2f: {  	[sflag:s13] =	ssyncadd.s32 $0xFFFFFF00  }
0x30: {  	[tilespmem:s17], [sflag:$0x1] =	stream.indirect.gather [hbm4b:s0+s16], $0x80, s7, s16, $0xb8;
	[tilespmem:$0x12F00] =	vst v63  }
0x31: {  	s30 =	simm.s32 $0x0  }
0x32: {  	[tilespmem:s19], [sflag:$0x1] =	stream.indirect.gather [hbm4b:s0+s16], $0x80, s18, s16, $0xb8;
	[tilespmem:$0x12F00] =	vst v63  }
.LBB2_2:
0x33: {  	s1 =	sshll.u32 s30, $0x1  }
0x34: {  	s31 =	sor.u32 s8, s1  }
0x35: {  	s1 =	sshll.u32 s31, $0x5  }
0x36: {  	s1 =	sadd.s32 s1, s10  }
0x37: {  	[tilespmem:s20], [sflag:$0x5] =	stream.linear.gather [hbm4b:s1+s7], $0x100, $0x38;
	[tilespmem:$0x12F00] =	vst v63  }
0x38: {  	_ =	swait.ge [sflag:s13], $0x100  }
0x39: {  	p0 =	seq.s32 s30, $0x0;
	[sflag:s13] =	ssyncset.done $0x0  }
0x3a: {  	s1 =	simm.s32 @!p0 $0x4;
	[sflag:s13] =	ssyncadd.s32 $0xFFFFFF00  }
0x3b: {  	_ =	swait.ge @!p0 [sflag:s1], $0x6400  }
0x3c: {  	[sflag:s1] =	ssyncset.done @!p0 $0x0  }
0x3d: {  	[sflag:s1] =	ssyncadd.s32 @!p0 $0xFFFF9C00  }
0x3e: {  	[tilespmem:s21], [sflag:$0x2] =	stream.indirect.gather [hbm4b:s0+s16], $0x80, s20, s16, $0xb8;
	[tilespmem:$0x12F00] =	vst v63  }
0x3f: {  	_ = 	snop  }
0x40: {  	[tilespmem:s23], [sflag:$0x2] =	stream.indirect.gather [hbm4b:s0+s16], $0x80, s22, s16, $0xb8;
	[tilespmem:$0x12F00] =	vst v63  }
0x41: {  	_ =	swait.ge [sflag:s24], $0x3200  }
0x42: {  	[sflag:s24] =	ssyncset.done $0x0  }
0x43: {  	[sflag:s24] =	ssyncadd.s32 $0xFFFFCE00  }
0x44: {  	_ =	swait.ge [sflag:s24], $0x3200  }
0x45: {  	[sflag:s24] =	ssyncset.done $0x0  }
0x46: {  	s5 =	simm.s32 $0x0;
	[sflag:s24] =	ssyncadd.s32 $0xFFFFCE00  }
0x47: {  	v20 =	vld [tilespmem:s5+$0xCA20]  }
0x48: {  	v21 =	vld [tilespmem:s5+$0xCA00]  }
0x49: {  	v22 =	vld [tilespmem:s5+$0xCA10]  }
0x4a: {  	v23 =	vld [tilespmem:s5+$0x210]  }
0x4b: {  	v24 =	vld [tilespmem:s5+$0x200]  }
0x4c: {  	v25 =	vld [tilespmem:s5+$0x220]  }
0x4d: {  	v26 =	vld [tilespmem:s5+$0xCA30]  }
0x4e: {  	v27 =	vld [tilespmem:s5+$0x230]  }
0x4f: {  	v28 =	vld [tilespmem:s5+$0xCA40]  }
0x50: {  	v21 =	vadd.f32 v21, v24;
	v22 =	vadd.f32 v22, v23;
	v23 =	vld [tilespmem:s5+$0x240]  }
0x51: {  	v20 =	vadd.f32 v20, v25;
	v24 =	vld [tilespmem:s5+$0xCA50]  }
0x52: {  	v25 =	vld [tilespmem:s5+$0x250];
	v29 =	vmul.f32 v21, v21;
	v30 =	vadd.f32 v22, v21;
	v31 =	vmul.f32 v22, v22  }
0x53: {  	v32 =	vld [tilespmem:s5+$0x260];
	v26 =	vadd.f32 v26, v27  }
0x54: {  	v27 =	vld [tilespmem:s5+$0xCA60];
	v29 =	vadd.f32 v31, v29;
	v30 =	vadd.f32 v20, v30;
	v31 =	vmul.f32 v20, v20  }
0x55: {  	v33 =	vld [tilespmem:s5+$0x270];
	v23 =	vadd.f32 v28, v23  }
0x56: {  	v28 =	vld [tilespmem:s5+$0xCA70];
	v29 =	vadd.f32 v31, v29;
	v30 =	vadd.f32 v26, v30;
	v31 =	vmul.f32 v26, v26  }
0x57: {  	v24 =	vadd.f32 v24, v25  }
0x58: {  	v25 =	vadd.f32 v31, v29;
	v29 =	vadd.f32 v23, v30;
	v30 =	vmul.f32 v23, v23  }
0x59: {  	v31 =	vadd.f32 v27, v32  }
0x5a: {  	v25 =	vadd.f32 v30, v25;
	v27 =	vadd.f32 v24, v29;
	v29 =	vmul.f32 v24, v24  }
0x5b: {  	v28 =	vadd.f32 v28, v33  }
0x5c: {  	v25 =	vadd.f32 v29, v25;
	v27 =	vadd.f32 v31, v27;
	v29 =	vmul.f32 v31, v31;
	_ =	sdelay $0x1  }
0x5d: {  	v25 =	vadd.f32 v29, v25;
	v27 =	vadd.f32 v28, v27;
	v29 =	vmul.f32 v28, v28;
	_ =	sdelay $0x1  }
0x5e: {  	v25 =	vadd.f32 v29, v25;
	v29 =	vperm.xlane v27, v0;
	_ =	sdelay $0x1  }
0x5f: {  	v27 =	vadd.f32 v27, v29;
	v29 =	vperm.xlane v25, v0;
	_ =	sdelay $0x1  }
0x60: {  	v30 =	vperm.xlane v27, v1;
	v25 =	vadd.f32 v29, v25;
	_ =	sdelay $0x1  }
0x61: {  	v27 =	vadd.f32 v27, v30;
	v29 =	vperm.xlane v25, v1;
	_ =	sdelay $0x1  }
0x62: {  	v30 =	vperm.xlane v27, v2;
	v25 =	vadd.f32 v29, v25;
	_ =	sdelay $0x1  }
0x63: {  	v27 =	vadd.f32 v27, v30;
	v29 =	vperm.xlane v25, v2;
	_ =	sdelay $0x1  }
0x64: {  	v30 =	vperm.xlane v27, v3;
	v25 =	vadd.f32 v29, v25;
	_ =	sdelay $0x1  }
0x65: {  	v27 =	vadd.f32 v27, v30;
	v29 =	vperm.xlane v25, v3;
	_ =	sdelay $0x1  }
0x66: {  	v25 =	vadd.f32 v29, v25;
	v27 =	vmul.f32 $7.812500000e-03, v27;
	_ =	sdelay $0x1  }
0x67: {  	v25 =	vmul.f32 $7.812500000e-03, v25;
	v29 =	vmul.f32 v27, v27;
	_ =	sdelay $0x1  }
0x68: {  	v25 =	vsub.f32 v25, v29;
	_ =	sdelay $0x1  }
0x69: {  	v25 =	vmax.f32 v25, $0.0e+00  }
0x6a: {  	v25 =	vadd.f32 $9.999999960e-13, v25;
	_ =	sdelay $0x1  }
0x6b: {  	v29 =	vshra.s32 v25, $0x1;
	v25 =	vmul.f32 $5.000000000e-01, v25  }
0x6c: {  	v29 =	vsub.s32 $0x5F3759DF, v29  }
0x6d: {  	v30 =	vmul.f32 v29, v25;
	_ =	sdelay $0x1  }
0x6e: {  	v30 =	vmul.f32 v29, v30;
	_ =	sdelay $0x1  }
0x6f: {  	v30 =	vsub.f32 $1.500000000e+00, v30;
	_ =	sdelay $0x1  }
0x70: {  	v29 =	vmul.f32 v29, v30;
	_ =	sdelay $0x1  }
0x71: {  	v30 =	vmul.f32 v29, v25;
	_ =	sdelay $0x1  }
0x72: {  	v30 =	vmul.f32 v30, v29;
	_ =	sdelay $0x1  }
0x73: {  	v30 =	vsub.f32 $1.500000000e+00, v30;
	_ =	sdelay $0x1  }
0x74: {  	v29 =	vmul.f32 v30, v29;
	_ =	sdelay $0x1  }
0x75: {  	v25 =	vmul.f32 v29, v25;
	_ =	sdelay $0x1  }
0x76: {  	v25 =	vmul.f32 v25, v29;
	_ =	sdelay $0x1  }
0x77: {  	v25 =	vsub.f32 $1.500000000e+00, v25;
	_ =	sdelay $0x1  }
0x78: {  	v29 =	vmul.f32 v25, v29;
	_ =	sdelay $0x1  }
0x79: {  	v27 =	vmul.f32 v29, v27;
	v21 =	vmul.f32 v29, v21;
	_ =	sdelay $0x1  }
0x7a: {  	v22 =	vmul.f32 v29, v22;
	v21 =	vsub.f32 v21, v27  }
0x7b: {  	v20 =	vmul.f32 v29, v20  }
0x7c: {  	v25 =	vmul.f32 v29, v26;
	v22 =	vsub.f32 v22, v27;
	v21 =	vmul.f32 v21, v4  }
0x7d: {  	v23 =	vmul.f32 v29, v23;
	v24 =	vmul.f32 v29, v24;
	v26 =	vsub.f32 v20, v27  }
0x7e: {  	s1 =	simm.s32 $0x80;
	v25 =	vsub.f32 v25, v27;
	v30 =	vmul.f32 v22, v5;
	v21 =	vadd.f32 v21, v12  }
0x7f: {  	v23 =	vsub.f32 v23, v27;
	v20 =	vld [tilespmem:s1+$0xCA00];
	v24 =	vsub.f32 v24, v27;
	v26 =	vmul.f32 v26, v6  }
0x80: {  	v31 =	vmul.f32 v29, v31;
	v22 =	vld [tilespmem:s1+$0xCA20];
	v30 =	vadd.f32 v30, v13;
	[tilespmem:s5+$0x200] =	vst v21;
	v21 =	vmul.f32 v25, v7  }
0x81: {  	v63 =	vmul.f32 v24, v9;
	v62 =	vadd.f32 v26, v14;
	v25 =	vmul.f32 v23, v8  }
0x82: {  	v28 =	vmul.f32 v29, v28;
	v29 =	vsub.f32 v31, v27;
	v23 =	vld [tilespmem:s1+$0xCA10];
	[tilespmem:s5+$0x210] =	vst v30;
	v26 =	vadd.f32 v21, v15  }
0x83: {  	s2 =	simm.s32 $0x400;
	v25 =	vadd.f32 v25, v16;
	v24 =	vld [tilespmem:s1+$0x210];
	v21 =	vadd.f32 v63, v17;
	[tilespmem:s5+$0x220] =	vst v62  }
.LBB2_3:
0x84: {  	p0 =	sne.s32 s2, $0x18E00;
	v30 =	vld [tilespmem:s1+$0x200];
	[tilespmem:s5+$0x230] =	vst v26;
	v26 =	vsub.f32 v28, v27  }
0x85: {  	v27 =	vld [tilespmem:s1+$0x220];
	[tilespmem:s5+$0x240] =	vst v25;
	v25 =	vmul.f32 v29, v10  }
0x86: {  	v28 =	vld [tilespmem:s1+$0xCA30];
	[tilespmem:s5+$0x250] =	vst v21;
	v21 =	vmul.f32 v26, v11  }
0x87: {  	v26 =	vld [tilespmem:s1+$0x230];
	v25 =	vadd.f32 v25, v18  }
0x88: {  	v29 =	vld [tilespmem:s1+$0xCA40];
	v31 =	vadd.f32 v21, v19  }
0x89: {  	v21 =	vadd.f32 v20, v30;
	v20 =	vadd.f32 v23, v24;
	v23 =	vld [tilespmem:s1+$0x240];
	[tilespmem:s5+$0x260] =	vst v25  }
0x8a: {  	v22 =	vadd.f32 v22, v27;
	v24 =	vld [tilespmem:s1+$0xCA50];
	[tilespmem:s5+$0x270] =	vst v31;
	s5 =	smov.u32 s1  }
0x8b: {  	v27 =	vld [tilespmem:s5+$0x250];
	v30 =	vmul.f32 v21, v21;
	v31 =	vadd.f32 v20, v21;
	v32 =	vmul.f32 v20, v20  }
0x8c: {  	v25 =	vadd.f32 v28, v26;
	v28 =	vld [tilespmem:s5+$0xCA60]  }
0x8d: {  	v33 =	vld [tilespmem:s5+$0x260];
	v30 =	vadd.f32 v32, v30;
	v31 =	vadd.f32 v22, v31;
	v32 =	vmul.f32 v22, v22  }
0x8e: {  	v26 =	vadd.f32 v29, v23;
	v29 =	vld [tilespmem:s5+$0xCA70]  }
0x8f: {  	v34 =	vld [tilespmem:s5+$0x270];
	v23 =	vadd.f32 v32, v30;
	v30 =	vadd.f32 v25, v31;
	v31 =	vmul.f32 v25, v25  }
0x90: {  	v32 =	vadd.f32 v24, v27  }
0x91: {  	v24 =	vadd.f32 v31, v23;
	v27 =	vadd.f32 v26, v30;
	v30 =	vmul.f32 v26, v26  }
0x92: {  	v23 =	vadd.f32 v28, v33  }
0x93: {  	v28 =	vadd.f32 v30, v24;
	v27 =	vadd.f32 v32, v27;
	v30 =	vmul.f32 v32, v32  }
0x94: {  	v24 =	vadd.f32 v29, v34  }
0x95: {  	v29 =	vmul.f32 v23, v23;
	v28 =	vadd.f32 v30, v28;
	v27 =	vadd.f32 v23, v27;
	_ =	sdelay $0x1  }
0x96: {  	v28 =	vadd.f32 v29, v28;
	v27 =	vadd.f32 v24, v27;
	v29 =	vmul.f32 v24, v24;
	_ =	sdelay $0x1  }
0x97: {  	v28 =	vadd.f32 v29, v28;
	v29 =	vperm.xlane v27, v0;
	_ =	sdelay $0x1  }
0x98: {  	v27 =	vadd.f32 v27, v29;
	v29 =	vperm.xlane v28, v0;
	_ =	sdelay $0x1  }
0x99: {  	v30 =	vperm.xlane v27, v1;
	v28 =	vadd.f32 v29, v28;
	_ =	sdelay $0x1  }
0x9a: {  	v27 =	vadd.f32 v27, v30;
	v29 =	vperm.xlane v28, v1;
	_ =	sdelay $0x1  }
0x9b: {  	v30 =	vperm.xlane v27, v2;
	v28 =	vadd.f32 v29, v28;
	_ =	sdelay $0x1  }
0x9c: {  	v27 =	vadd.f32 v27, v30;
	v29 =	vperm.xlane v28, v2;
	_ =	sdelay $0x1  }
0x9d: {  	v30 =	vperm.xlane v27, v3;
	v28 =	vadd.f32 v29, v28;
	_ =	sdelay $0x1  }
0x9e: {  	v27 =	vadd.f32 v27, v30;
	v29 =	vperm.xlane v28, v3;
	_ =	sdelay $0x1  }
0x9f: {  	v28 =	vadd.f32 v29, v28;
	v27 =	vmul.f32 $7.812500000e-03, v27;
	_ =	sdelay $0x1  }
0xa0: {  	v28 =	vmul.f32 $7.812500000e-03, v28;
	v29 =	vmul.f32 v27, v27;
	_ =	sdelay $0x1  }
0xa1: {  	v28 =	vsub.f32 v28, v29;
	_ =	sdelay $0x1  }
0xa2: {  	v28 =	vmax.f32 v28, $0.0e+00  }
0xa3: {  	v28 =	vadd.f32 $9.999999960e-13, v28;
	_ =	sdelay $0x1  }
0xa4: {  	v29 =	vshra.s32 v28, $0x1;
	v28 =	vmul.f32 $5.000000000e-01, v28  }
0xa5: {  	v29 =	vsub.s32 $0x5F3759DF, v29  }
0xa6: {  	v30 =	vmul.f32 v29, v28;
	_ =	sdelay $0x1  }
0xa7: {  	v30 =	vmul.f32 v29, v30;
	_ =	sdelay $0x1  }
0xa8: {  	v30 =	vsub.f32 $1.500000000e+00, v30;
	_ =	sdelay $0x1  }
0xa9: {  	v29 =	vmul.f32 v29, v30;
	_ =	sdelay $0x1  }
0xaa: {  	v30 =	vmul.f32 v29, v28;
	_ =	sdelay $0x1  }
0xab: {  	v30 =	vmul.f32 v30, v29;
	_ =	sdelay $0x1  }
0xac: {  	v30 =	vsub.f32 $1.500000000e+00, v30;
	_ =	sdelay $0x1  }
0xad: {  	v29 =	vmul.f32 v30, v29;
	_ =	sdelay $0x1  }
0xae: {  	v28 =	vmul.f32 v29, v28;
	_ =	sdelay $0x1  }
0xaf: {  	v28 =	vmul.f32 v28, v29;
	_ =	sdelay $0x1  }
0xb0: {  	v28 =	vsub.f32 $1.500000000e+00, v28;
	_ =	sdelay $0x1  }
0xb1: {  	v28 =	vmul.f32 v28, v29;
	_ =	sdelay $0x1  }
0xb2: {  	v27 =	vmul.f32 v28, v27;
	v21 =	vmul.f32 v28, v21  }
0xb3: {  	v20 =	vmul.f32 v28, v20;
	v22 =	vmul.f32 v28, v22  }
0xb4: {  	v25 =	vmul.f32 v28, v25;
	v26 =	vmul.f32 v28, v26;
	v21 =	vsub.f32 v21, v27  }
0xb5: {  	v29 =	vmul.f32 v28, v32;
	v20 =	vsub.f32 v20, v27;
	v22 =	vsub.f32 v22, v27  }
0xb6: {  	v25 =	vsub.f32 v25, v27;
	v26 =	vsub.f32 v26, v27;
	v21 =	vmul.f32 v21, v4  }
0xb7: {  	v29 =	vsub.f32 v29, v27;
	v20 =	vmul.f32 v20, v5;
	v30 =	vmul.f32 v22, v6  }
.Ltmp0:
0xb8: {  	s1 =	sshra.s32 s2, $0x2;
	v25 =	vmul.f32 v25, v7;
	v31 =	vmul.f32 v26, v8;
	v21 =	vadd.f32 v21, v12;
	(pc) =	sbr.rel @p0 .LBB2_3-.Ltmp0, $4  }
0xb9: {  	v29 =	vmul.f32 v29, v9;
	v32 =	vadd.f32 v20, v13;
	v30 =	vadd.f32 v30, v14;
	v22 =	vld [tilespmem:s1+$0xCA20]  }
0xba: {  	v26 =	vadd.f32 v25, v15;
	v25 =	vadd.f32 v31, v16;
	v31 =	vmul.f32 v28, v23;
	v20 =	vld [tilespmem:s1+$0xCA00];
	[tilespmem:s5+$0x200] =	vst v21  }
0xbb: {  	v28 =	vmul.f32 v28, v24;
	v21 =	vadd.f32 v29, v17;
	v23 =	vld [tilespmem:s1+$0xCA10];
	[tilespmem:s5+$0x210] =	vst v32  }
0xbc: {  	s2 =	sadd.s32 $0x200, s2;
	v29 =	vsub.f32 v31, v27;
	v24 =	vld [tilespmem:s1+$0x210];
	[tilespmem:s5+$0x220] =	vst v30  }
0xbd: {  	v30 =	vld [tilespmem:s1+$0x200];
	[tilespmem:s5+$0x230] =	vst v26;
	v27 =	vsub.f32 v28, v27  }
0xbe: {  	v26 =	vld [tilespmem:s1+$0x220];
	[tilespmem:s5+$0x240] =	vst v25;
	v28 =	vmul.f32 v29, v10  }
0xbf: {  	v25 =	vld [tilespmem:s1+$0xCA30];
	[tilespmem:s5+$0x250] =	vst v21;
	v27 =	vmul.f32 v27, v11  }
0xc0: {  	v21 =	vld [tilespmem:s1+$0x230];
	v28 =	vadd.f32 v28, v18  }
0xc1: {  	v29 =	vld [tilespmem:s1+$0xCA40];
	v27 =	vadd.f32 v27, v19  }
0xc2: {  	v31 =	vld [tilespmem:s1+$0x240];
	v23 =	vadd.f32 v23, v24;
	[tilespmem:s5+$0x260] =	vst v28;
	v20 =	vadd.f32 v20, v30  }
0xc3: {  	v24 =	vld [tilespmem:s1+$0xCA50];
	v22 =	vadd.f32 v22, v26;
	[tilespmem:s5+$0x270] =	vst v27  }
0xc4: {  	v30 =	vmul.f32 v23, v23;
	v26 =	vld [tilespmem:s1+$0x250];
	v27 =	vmul.f32 v20, v20;
	v28 =	vadd.f32 v23, v20  }
0xc5: {  	v32 =	vld [tilespmem:s1+$0x260];
	v21 =	vadd.f32 v25, v21  }
0xc6: {  	v25 =	vld [tilespmem:s1+$0xCA60];
	v27 =	vadd.f32 v30, v27;
	v28 =	vadd.f32 v22, v28;
	v30 =	vmul.f32 v22, v22  }
0xc7: {  	v33 =	vld [tilespmem:s1+$0x270];
	v29 =	vadd.f32 v29, v31  }
0xc8: {  	v31 =	vld [tilespmem:s1+$0xCA70];
	v27 =	vadd.f32 v30, v27;
	v28 =	vadd.f32 v21, v28;
	v30 =	vmul.f32 v21, v21  }
0xc9: {  	v24 =	vadd.f32 v24, v26  }
0xca: {  	v26 =	vadd.f32 v30, v27;
	v27 =	vadd.f32 v29, v28;
	v28 =	vmul.f32 v29, v29  }
0xcb: {  	v25 =	vadd.f32 v25, v32  }
0xcc: {  	v26 =	vadd.f32 v28, v26;
	v27 =	vadd.f32 v24, v27;
	v28 =	vmul.f32 v24, v24  }
0xcd: {  	v30 =	vadd.f32 v31, v33  }
0xce: {  	v26 =	vadd.f32 v28, v26;
	v27 =	vadd.f32 v25, v27;
	v28 =	vmul.f32 v25, v25;
	_ =	sdelay $0x1  }
0xcf: {  	v26 =	vadd.f32 v28, v26;
	v27 =	vadd.f32 v30, v27;
	v28 =	vmul.f32 v30, v30;
	_ =	sdelay $0x1  }
0xd0: {  	v26 =	vadd.f32 v28, v26;
	v28 =	vperm.xlane v27, v0;
	_ =	sdelay $0x1  }
0xd1: {  	v27 =	vadd.f32 v27, v28;
	v28 =	vperm.xlane v26, v0;
	_ =	sdelay $0x1  }
0xd2: {  	v31 =	vperm.xlane v27, v1;
	v26 =	vadd.f32 v28, v26;
	_ =	sdelay $0x1  }
0xd3: {  	v27 =	vadd.f32 v27, v31;
	v28 =	vperm.xlane v26, v1;
	_ =	sdelay $0x1  }
0xd4: {  	v31 =	vperm.xlane v27, v2;
	v26 =	vadd.f32 v28, v26;
	_ =	sdelay $0x1  }
0xd5: {  	v27 =	vadd.f32 v27, v31;
	v28 =	vperm.xlane v26, v2;
	_ =	sdelay $0x1  }
0xd6: {  	v31 =	vperm.xlane v27, v3;
	v26 =	vadd.f32 v28, v26;
	_ =	sdelay $0x1  }
0xd7: {  	v27 =	vadd.f32 v27, v31;
	v28 =	vperm.xlane v26, v3;
	_ =	sdelay $0x1  }
0xd8: {  	v26 =	vadd.f32 v28, v26;
	v27 =	vmul.f32 $7.812500000e-03, v27;
	_ =	sdelay $0x1  }
0xd9: {  	v26 =	vmul.f32 $7.812500000e-03, v26;
	v28 =	vmul.f32 v27, v27;
	_ =	sdelay $0x1  }
0xda: {  	v26 =	vsub.f32 v26, v28;
	_ =	sdelay $0x1  }
0xdb: {  	v26 =	vmax.f32 v26, $0.0e+00  }
0xdc: {  	v26 =	vadd.f32 $9.999999960e-13, v26;
	_ =	sdelay $0x1  }
0xdd: {  	v28 =	vshra.s32 v26, $0x1;
	v26 =	vmul.f32 $5.000000000e-01, v26  }
0xde: {  	v28 =	vsub.s32 $0x5F3759DF, v28  }
0xdf: {  	v31 =	vmul.f32 v28, v26;
	_ =	sdelay $0x1  }
0xe0: {  	v31 =	vmul.f32 v28, v31;
	_ =	sdelay $0x1  }
0xe1: {  	v31 =	vsub.f32 $1.500000000e+00, v31;
	_ =	sdelay $0x1  }
0xe2: {  	v28 =	vmul.f32 v28, v31;
	_ =	sdelay $0x1  }
0xe3: {  	v31 =	vmul.f32 v28, v26;
	_ =	sdelay $0x1  }
0xe4: {  	v31 =	vmul.f32 v31, v28;
	_ =	sdelay $0x1  }
0xe5: {  	v31 =	vsub.f32 $1.500000000e+00, v31;
	_ =	sdelay $0x1  }
0xe6: {  	v28 =	vmul.f32 v31, v28;
	_ =	sdelay $0x1  }
0xe7: {  	v26 =	vmul.f32 v28, v26;
	_ =	sdelay $0x1  }
0xe8: {  	v26 =	vmul.f32 v26, v28;
	_ =	sdelay $0x1  }
0xe9: {  	v26 =	vsub.f32 $1.500000000e+00, v26;
	_ =	sdelay $0x1  }
0xea: {  	v26 =	vmul.f32 v26, v28;
	_ =	sdelay $0x1  }
0xeb: {  	v27 =	vmul.f32 v26, v27;
	v20 =	vmul.f32 v26, v20  }
0xec: {  	v23 =	vmul.f32 v26, v23  }
0xed: {  	v22 =	vmul.f32 v26, v22;
	v21 =	vmul.f32 v26, v21;
	v20 =	vsub.f32 v20, v27  }
0xee: {  	v28 =	vmul.f32 v26, v29;
	v24 =	vmul.f32 v26, v24;
	v23 =	vsub.f32 v23, v27  }
0xef: {  	v25 =	vmul.f32 v26, v25;
	v22 =	vsub.f32 v22, v27;
	v20 =	vmul.f32 v20, v4  }
0xf0: {  	v26 =	vmul.f32 v26, v30;
	v21 =	vsub.f32 v21, v27;
	v23 =	vmul.f32 v23, v5  }
0xf1: {  	v28 =	vsub.f32 v28, v27;
	v22 =	vmul.f32 v22, v6;
	v20 =	vadd.f32 v20, v12  }
0xf2: {  	v24 =	vsub.f32 v24, v27;
	v21 =	vmul.f32 v21, v7;
	v23 =	vadd.f32 v23, v13  }
0xf3: {  	v28 =	vmul.f32 v28, v8;
	v22 =	vadd.f32 v22, v14;
	[tilespmem:s1+$0x200] =	vst v20;
	v20 =	vsub.f32 v25, v27  }
0xf4: {  	v24 =	vmul.f32 v24, v9;
	v21 =	vadd.f32 v21, v15;
	[tilespmem:s1+$0x210] =	vst v23;
	v23 =	vsub.f32 v26, v27  }
0xf5: {  	v25 =	vadd.f32 v28, v16;
	[tilespmem:s1+$0x220] =	vst v22;
	v20 =	vmul.f32 v20, v10  }
0xf6: {  	v22 =	vadd.f32 v24, v17;
	[tilespmem:s1+$0x230] =	vst v21;
	v21 =	vmul.f32 v23, v11  }
0xf7: {  	[tilespmem:s1+$0x240] =	vst v25;
	v20 =	vadd.f32 v20, v18  }
0xf8: {  	s2 =	smul.u32 $0xC80, s31;
	[tilespmem:s1+$0x250] =	vst v22;
	v21 =	vadd.f32 v21, v19  }
0xf9: {  	s31 =	sor.u32 $0x1, s31;
	p0 =	seq.s32 s30, $0xF;
	[tilespmem:s1+$0x260] =	vst v20  }
0xfa: {  	s5 =	sadd.s32 s6, s2;
	[tilespmem:s1+$0x270] =	vst v21;
	s1 =	sshll.u32 @!p0 s31, $0x5  }
0xfb: {  	[hbm4b:s5+s7] =	stream.linear.scatter [tilespmem:s17], [sflag:$0x3], $0x6400, $0x38;
	[tilespmem:$0x12F00] =	vst v63  }
0xfc: {  	s2 =	simm.s32 @!p0 $0x0;
	s1 =	sadd.s32 @!p0 s1, s10  }
0xfd: {  	[tilespmem:s2], [sflag:$0x5] =	stream.linear.gather @!p0 [hbm4b:s1+s2], $0x100, $0x38;
	[tilespmem:$0x12F00] =	vst v63  }
0xfe: {  	s1 =	simm.s32 @!p0 $0x5  }
0xff: {  	_ =	swait.ge @!p0 [sflag:s1], $0x100  }
0x100: {  	[sflag:s1] =	ssyncset.done @!p0 $0x0  }
0x101: {  	[sflag:s1] =	ssyncadd.s32 @!p0 $0xFFFFFF00;
	s1 =	simm.s32 @!p0 $0x3  }
0x102: {  	_ =	swait.ge @!p0 [sflag:s1], $0x6400  }
0x103: {  	[sflag:s1] =	ssyncset.done @!p0 $0x0  }
0x104: {  	s5 =	simm.s32 @!p0 $0x200;
	[sflag:s1] =	ssyncadd.s32 @!p0 $0xFFFF9C00;
	s1 =	simm.s32 @!p0 $0x64  }
0x105: {  	[tilespmem:s5], [sflag:$0x1] =	stream.indirect.gather @!p0 [hbm4b:s0+s1], $0x80, s2, s1, $0xb8;
	[tilespmem:$0x12F00] =	vst v63  }
0x106: {  	s2 =	simm.s32 @!p0 $0x80;
	s5 =	simm.s32 @!p0 $0x3400  }
0x107: {  	[tilespmem:s5], [sflag:$0x1] =	stream.indirect.gather @!p0 [hbm4b:s0+s1], $0x80, s2, s1, $0xb8;
	[tilespmem:$0x12F00] =	vst v63  }
0x108: {  	_ =	swait.ge [sflag:s25], $0x3200  }
0x109: {  	[sflag:s25] =	ssyncset.done $0x0  }
0x10a: {  	[sflag:s25] =	ssyncadd.s32 $0xFFFFCE00  }
0x10b: {  	_ =	swait.ge [sflag:s25], $0x3200  }
0x10c: {  	[sflag:s25] =	ssyncset.done $0x0  }
0x10d: {  	s5 =	simm.s32 $0x0;
	[sflag:s25] =	ssyncadd.s32 $0xFFFFCE00  }
0x10e: {  	v20 =	vld [tilespmem:s5+$0xCA20]  }
0x10f: {  	v21 =	vld [tilespmem:s5+$0xCA00]  }
0x110: {  	v22 =	vld [tilespmem:s5+$0xCA10]  }
0x111: {  	v23 =	vld [tilespmem:s5+$0x6610]  }
0x112: {  	v24 =	vld [tilespmem:s5+$0x6600]  }
0x113: {  	v25 =	vld [tilespmem:s5+$0x6620]  }
0x114: {  	v26 =	vld [tilespmem:s5+$0xCA30]  }
0x115: {  	v27 =	vld [tilespmem:s5+$0x6630]  }
0x116: {  	v28 =	vld [tilespmem:s5+$0xCA40]  }
0x117: {  	v21 =	vadd.f32 v21, v24;
	v22 =	vadd.f32 v22, v23;
	v23 =	vld [tilespmem:s5+$0x6640]  }
0x118: {  	v20 =	vadd.f32 v20, v25;
	v24 =	vld [tilespmem:s5+$0xCA50]  }
0x119: {  	v25 =	vld [tilespmem:s5+$0x6650];
	v29 =	vmul.f32 v21, v21;
	v30 =	vadd.f32 v22, v21;
	v31 =	vmul.f32 v22, v22  }
0x11a: {  	v60 =	vld [tilespmem:s5+$0x6660];
	v26 =	vadd.f32 v26, v27  }
0x11b: {  	v27 =	vld [tilespmem:s5+$0xCA60];
	v29 =	vadd.f32 v31, v29;
	v30 =	vadd.f32 v20, v30;
	v31 =	vmul.f32 v20, v20  }
0x11c: {  	v61 =	vld [tilespmem:s5+$0x6670];
	v23 =	vadd.f32 v28, v23  }
0x11d: {  	v28 =	vld [tilespmem:s5+$0xCA70];
	v29 =	vadd.f32 v31, v29;
	v30 =	vadd.f32 v26, v30;
	v31 =	vmul.f32 v26, v26  }
0x11e: {  	v24 =	vadd.f32 v24, v25  }
0x11f: {  	v25 =	vadd.f32 v31, v29;
	v29 =	vadd.f32 v23, v30;
	v30 =	vmul.f32 v23, v23  }
0x120: {  	v31 =	vadd.f32 v27, v60  }
0x121: {  	v25 =	vadd.f32 v30, v25;
	v27 =	vadd.f32 v24, v29;
	v29 =	vmul.f32 v24, v24  }
0x122: {  	v28 =	vadd.f32 v28, v61  }
0x123: {  	v25 =	vadd.f32 v29, v25;
	v27 =	vadd.f32 v31, v27;
	v29 =	vmul.f32 v31, v31;
	_ =	sdelay $0x1  }
0x124: {  	v25 =	vadd.f32 v29, v25;
	v27 =	vadd.f32 v28, v27;
	v29 =	vmul.f32 v28, v28;
	_ =	sdelay $0x1  }
0x125: {  	v25 =	vadd.f32 v29, v25;
	v29 =	vperm.xlane v27, v0;
	_ =	sdelay $0x1  }
0x126: {  	v27 =	vadd.f32 v27, v29;
	v29 =	vperm.xlane v25, v0;
	_ =	sdelay $0x1  }
0x127: {  	v30 =	vperm.xlane v27, v1;
	v25 =	vadd.f32 v29, v25;
	_ =	sdelay $0x1  }
0x128: {  	v27 =	vadd.f32 v27, v30;
	v29 =	vperm.xlane v25, v1;
	_ =	sdelay $0x1  }
0x129: {  	v30 =	vperm.xlane v27, v2;
	v25 =	vadd.f32 v29, v25;
	_ =	sdelay $0x1  }
0x12a: {  	v27 =	vadd.f32 v27, v30;
	v29 =	vperm.xlane v25, v2;
	_ =	sdelay $0x1  }
0x12b: {  	v30 =	vperm.xlane v27, v3;
	v25 =	vadd.f32 v29, v25;
	_ =	sdelay $0x1  }
0x12c: {  	v27 =	vadd.f32 v27, v30;
	v29 =	vperm.xlane v25, v3;
	_ =	sdelay $0x1  }
0x12d: {  	v25 =	vadd.f32 v29, v25;
	v27 =	vmul.f32 $7.812500000e-03, v27;
	_ =	sdelay $0x1  }
0x12e: {  	v25 =	vmul.f32 $7.812500000e-03, v25;
	v29 =	vmul.f32 v27, v27;
	_ =	sdelay $0x1  }
0x12f: {  	v25 =	vsub.f32 v25, v29;
	_ =	sdelay $0x1  }
0x130: {  	v25 =	vmax.f32 v25, $0.0e+00  }
0x131: {  	v25 =	vadd.f32 $9.999999960e-13, v25;
	_ =	sdelay $0x1  }
0x132: {  	v29 =	vshra.s32 v25, $0x1;
	v25 =	vmul.f32 $5.000000000e-01, v25  }
0x133: {  	v29 =	vsub.s32 $0x5F3759DF, v29  }
0x134: {  	v30 =	vmul.f32 v29, v25;
	_ =	sdelay $0x1  }
0x135: {  	v30 =	vmul.f32 v29, v30;
	_ =	sdelay $0x1  }
0x136: {  	v30 =	vsub.f32 $1.500000000e+00, v30;
	_ =	sdelay $0x1  }
0x137: {  	v29 =	vmul.f32 v29, v30;
	_ =	sdelay $0x1  }
0x138: {  	v30 =	vmul.f32 v29, v25;
	_ =	sdelay $0x1  }
0x139: {  	v30 =	vmul.f32 v30, v29;
	_ =	sdelay $0x1  }
0x13a: {  	v30 =	vsub.f32 $1.500000000e+00, v30;
	_ =	sdelay $0x1  }
0x13b: {  	v29 =	vmul.f32 v30, v29;
	_ =	sdelay $0x1  }
0x13c: {  	v25 =	vmul.f32 v29, v25;
	_ =	sdelay $0x1  }
0x13d: {  	v25 =	vmul.f32 v25, v29;
	_ =	sdelay $0x1  }
0x13e: {  	v25 =	vsub.f32 $1.500000000e+00, v25;
	_ =	sdelay $0x1  }
0x13f: {  	v29 =	vmul.f32 v25, v29;
	_ =	sdelay $0x1  }
0x140: {  	v27 =	vmul.f32 v29, v27;
	v21 =	vmul.f32 v29, v21;
	_ =	sdelay $0x1  }
0x141: {  	v22 =	vmul.f32 v29, v22;
	v21 =	vsub.f32 v21, v27  }
0x142: {  	v20 =	vmul.f32 v29, v20  }
0x143: {  	v25 =	vmul.f32 v29, v26;
	v22 =	vsub.f32 v22, v27;
	v21 =	vmul.f32 v21, v4  }
0x144: {  	v23 =	vmul.f32 v29, v23;
	v24 =	vmul.f32 v29, v24;
	v26 =	vsub.f32 v20, v27  }
0x145: {  	s1 =	simm.s32 $0x80;
	v25 =	vsub.f32 v25, v27;
	v30 =	vmul.f32 v22, v5;
	v21 =	vadd.f32 v21, v12  }
0x146: {  	v23 =	vsub.f32 v23, v27;
	v20 =	vld [tilespmem:s1+$0xCA00];
	v24 =	vsub.f32 v24, v27;
	v26 =	vmul.f32 v26, v6  }
0x147: {  	v31 =	vmul.f32 v29, v31;
	v22 =	vld [tilespmem:s1+$0xCA20];
	v30 =	vadd.f32 v30, v13;
	[tilespmem:s5+$0x6600] =	vst v21;
	v21 =	vmul.f32 v25, v7  }
0x148: {  	v63 =	vmul.f32 v24, v9;
	v62 =	vadd.f32 v26, v14;
	v25 =	vmul.f32 v23, v8  }
0x149: {  	v28 =	vmul.f32 v29, v28;
	v29 =	vsub.f32 v31, v27;
	v23 =	vld [tilespmem:s1+$0xCA10];
	[tilespmem:s5+$0x6610] =	vst v30;
	v26 =	vadd.f32 v21, v15  }
0x14a: {  	s2 =	simm.s32 $0x400;
	v25 =	vadd.f32 v25, v16;
	v24 =	vld [tilespmem:s1+$0x6610];
	v21 =	vadd.f32 v63, v17;
	[tilespmem:s5+$0x6620] =	vst v62  }
.LBB2_5:
0x14b: {  	p0 =	sne.s32 s2, $0x18E00;
	v30 =	vld [tilespmem:s1+$0x6600];
	[tilespmem:s5+$0x6630] =	vst v26;
	v26 =	vsub.f32 v28, v27  }
0x14c: {  	v27 =	vld [tilespmem:s1+$0x6620];
	[tilespmem:s5+$0x6640] =	vst v25;
	v25 =	vmul.f32 v29, v10  }
0x14d: {  	v28 =	vld [tilespmem:s1+$0xCA30];
	[tilespmem:s5+$0x6650] =	vst v21;
	v21 =	vmul.f32 v26, v11  }
0x14e: {  	v26 =	vld [tilespmem:s1+$0x6630];
	v25 =	vadd.f32 v25, v18  }
0x14f: {  	v29 =	vld [tilespmem:s1+$0xCA40];
	v31 =	vadd.f32 v21, v19  }
0x150: {  	v21 =	vadd.f32 v20, v30;
	v20 =	vadd.f32 v23, v24;
	v23 =	vld [tilespmem:s1+$0x6640];
	[tilespmem:s5+$0x6660] =	vst v25  }
0x151: {  	v22 =	vadd.f32 v22, v27;
	v24 =	vld [tilespmem:s1+$0xCA50];
	[tilespmem:s5+$0x6670] =	vst v31;
	s5 =	smov.u32 s1  }
0x152: {  	v27 =	vld [tilespmem:s5+$0x6650];
	v30 =	vmul.f32 v21, v21;
	v31 =	vadd.f32 v20, v21;
	v32 =	vmul.f32 v20, v20  }
0x153: {  	v25 =	vadd.f32 v28, v26;
	v28 =	vld [tilespmem:s5+$0xCA60]  }
0x154: {  	v33 =	vld [tilespmem:s5+$0x6660];
	v30 =	vadd.f32 v32, v30;
	v31 =	vadd.f32 v22, v31;
	v32 =	vmul.f32 v22, v22  }
0x155: {  	v26 =	vadd.f32 v29, v23;
	v29 =	vld [tilespmem:s5+$0xCA70]  }
0x156: {  	v34 =	vld [tilespmem:s5+$0x6670];
	v23 =	vadd.f32 v32, v30;
	v30 =	vadd.f32 v25, v31;
	v31 =	vmul.f32 v25, v25  }
0x157: {  	v32 =	vadd.f32 v24, v27  }
0x158: {  	v24 =	vadd.f32 v31, v23;
	v27 =	vadd.f32 v26, v30;
	v30 =	vmul.f32 v26, v26  }
0x159: {  	v23 =	vadd.f32 v28, v33  }
0x15a: {  	v28 =	vadd.f32 v30, v24;
	v27 =	vadd.f32 v32, v27;
	v30 =	vmul.f32 v32, v32  }
0x15b: {  	v24 =	vadd.f32 v29, v34  }
0x15c: {  	v29 =	vmul.f32 v23, v23;
	v28 =	vadd.f32 v30, v28;
	v27 =	vadd.f32 v23, v27;
	_ =	sdelay $0x1  }
0x15d: {  	v28 =	vadd.f32 v29, v28;
	v27 =	vadd.f32 v24, v27;
	v29 =	vmul.f32 v24, v24;
	_ =	sdelay $0x1  }
0x15e: {  	v28 =	vadd.f32 v29, v28;
	v29 =	vperm.xlane v27, v0;
	_ =	sdelay $0x1  }
0x15f: {  	v27 =	vadd.f32 v27, v29;
	v29 =	vperm.xlane v28, v0;
	_ =	sdelay $0x1  }
0x160: {  	v30 =	vperm.xlane v27, v1;
	v28 =	vadd.f32 v29, v28;
	_ =	sdelay $0x1  }
0x161: {  	v27 =	vadd.f32 v27, v30;
	v29 =	vperm.xlane v28, v1;
	_ =	sdelay $0x1  }
0x162: {  	v30 =	vperm.xlane v27, v2;
	v28 =	vadd.f32 v29, v28;
	_ =	sdelay $0x1  }
0x163: {  	v27 =	vadd.f32 v27, v30;
	v29 =	vperm.xlane v28, v2;
	_ =	sdelay $0x1  }
0x164: {  	v30 =	vperm.xlane v27, v3;
	v28 =	vadd.f32 v29, v28;
	_ =	sdelay $0x1  }
0x165: {  	v27 =	vadd.f32 v27, v30;
	v29 =	vperm.xlane v28, v3;
	_ =	sdelay $0x1  }
0x166: {  	v28 =	vadd.f32 v29, v28;
	v27 =	vmul.f32 $7.812500000e-03, v27;
	_ =	sdelay $0x1  }
0x167: {  	v28 =	vmul.f32 $7.812500000e-03, v28;
	v29 =	vmul.f32 v27, v27;
	_ =	sdelay $0x1  }
0x168: {  	v28 =	vsub.f32 v28, v29;
	_ =	sdelay $0x1  }
0x169: {  	v28 =	vmax.f32 v28, $0.0e+00  }
0x16a: {  	v28 =	vadd.f32 $9.999999960e-13, v28;
	_ =	sdelay $0x1  }
0x16b: {  	v29 =	vshra.s32 v28, $0x1;
	v28 =	vmul.f32 $5.000000000e-01, v28  }
0x16c: {  	v29 =	vsub.s32 $0x5F3759DF, v29  }
0x16d: {  	v30 =	vmul.f32 v29, v28;
	_ =	sdelay $0x1  }
0x16e: {  	v30 =	vmul.f32 v29, v30;
	_ =	sdelay $0x1  }
0x16f: {  	v30 =	vsub.f32 $1.500000000e+00, v30;
	_ =	sdelay $0x1  }
0x170: {  	v29 =	vmul.f32 v29, v30;
	_ =	sdelay $0x1  }
0x171: {  	v30 =	vmul.f32 v29, v28;
	_ =	sdelay $0x1  }
0x172: {  	v30 =	vmul.f32 v30, v29;
	_ =	sdelay $0x1  }
0x173: {  	v30 =	vsub.f32 $1.500000000e+00, v30;
	_ =	sdelay $0x1  }
0x174: {  	v29 =	vmul.f32 v30, v29;
	_ =	sdelay $0x1  }
0x175: {  	v28 =	vmul.f32 v29, v28;
	_ =	sdelay $0x1  }
0x176: {  	v28 =	vmul.f32 v28, v29;
	_ =	sdelay $0x1  }
0x177: {  	v28 =	vsub.f32 $1.500000000e+00, v28;
	_ =	sdelay $0x1  }
0x178: {  	v28 =	vmul.f32 v28, v29;
	_ =	sdelay $0x1  }
0x179: {  	v27 =	vmul.f32 v28, v27;
	v21 =	vmul.f32 v28, v21  }
0x17a: {  	v20 =	vmul.f32 v28, v20;
	v22 =	vmul.f32 v28, v22  }
0x17b: {  	v25 =	vmul.f32 v28, v25;
	v26 =	vmul.f32 v28, v26;
	v21 =	vsub.f32 v21, v27  }
0x17c: {  	v29 =	vmul.f32 v28, v32;
	v20 =	vsub.f32 v20, v27;
	v22 =	vsub.f32 v22, v27  }
0x17d: {  	v25 =	vsub.f32 v25, v27;
	v26 =	vsub.f32 v26, v27;
	v21 =	vmul.f32 v21, v4  }
0x17e: {  	v29 =	vsub.f32 v29, v27;
	v20 =	vmul.f32 v20, v5;
	v30 =	vmul.f32 v22, v6  }
.Ltmp1:
0x17f: {  	s1 =	sshra.s32 s2, $0x2;
	v25 =	vmul.f32 v25, v7;
	v31 =	vmul.f32 v26, v8;
	v21 =	vadd.f32 v21, v12;
	(pc) =	sbr.rel @p0 .LBB2_5-.Ltmp1, $4  }
0x180: {  	v29 =	vmul.f32 v29, v9;
	v32 =	vadd.f32 v20, v13;
	v30 =	vadd.f32 v30, v14;
	v22 =	vld [tilespmem:s1+$0xCA20]  }
0x181: {  	v26 =	vadd.f32 v25, v15;
	v25 =	vadd.f32 v31, v16;
	v31 =	vmul.f32 v28, v23;
	v20 =	vld [tilespmem:s1+$0xCA00];
	[tilespmem:s5+$0x6600] =	vst v21  }
0x182: {  	v28 =	vmul.f32 v28, v24;
	v21 =	vadd.f32 v29, v17;
	v23 =	vld [tilespmem:s1+$0xCA10];
	[tilespmem:s5+$0x6610] =	vst v32  }
0x183: {  	s2 =	sadd.s32 $0x200, s2;
	v29 =	vsub.f32 v31, v27;
	v24 =	vld [tilespmem:s1+$0x6610];
	[tilespmem:s5+$0x6620] =	vst v30  }
0x184: {  	v30 =	vld [tilespmem:s1+$0x6600];
	[tilespmem:s5+$0x6630] =	vst v26;
	v27 =	vsub.f32 v28, v27  }
0x185: {  	v26 =	vld [tilespmem:s1+$0x6620];
	[tilespmem:s5+$0x6640] =	vst v25;
	v36 =	vmul.f32 v29, v10  }
0x186: {  	v25 =	vld [tilespmem:s1+$0xCA30];
	[tilespmem:s5+$0x6650] =	vst v21;
	v27 =	vmul.f32 v27, v11  }
0x187: {  	v21 =	vld [tilespmem:s1+$0x6630];
	v28 =	vadd.f32 v36, v18  }
0x188: {  	v37 =	vld [tilespmem:s1+$0xCA40];
	v27 =	vadd.f32 v27, v19  }
0x189: {  	v31 =	vld [tilespmem:s1+$0x6640];
	v23 =	vadd.f32 v23, v24;
	[tilespmem:s5+$0x6660] =	vst v28;
	v20 =	vadd.f32 v20, v30  }
0x18a: {  	v38 =	vld [tilespmem:s1+$0xCA50];
	v22 =	vadd.f32 v22, v26;
	[tilespmem:s5+$0x6670] =	vst v27  }
0x18b: {  	v42 =	vmul.f32 v23, v23;
	v39 =	vld [tilespmem:s1+$0x6650];
	v40 =	vmul.f32 v20, v20;
	v41 =	vadd.f32 v23, v20  }
0x18c: {  	v43 =	vld [tilespmem:s1+$0xCA60];
	v21 =	vadd.f32 v25, v21  }
0x18d: {  	v32 =	vld [tilespmem:s1+$0x6660];
	v44 =	vmul.f32 v22, v22;
	v27 =	vadd.f32 v42, v40;
	v28 =	vadd.f32 v22, v41  }
0x18e: {  	v45 =	vld [tilespmem:s1+$0xCA70];
	v29 =	vadd.f32 v37, v31  }
0x18f: {  	v33 =	vld [tilespmem:s1+$0x6670];
	v46 =	vmul.f32 v21, v21;
	v27 =	vadd.f32 v44, v27;
	v28 =	vadd.f32 v21, v28  }
0x190: {  	v24 =	vadd.f32 v38, v39  }
0x191: {  	v49 =	vmul.f32 v29, v29;
	v47 =	vadd.f32 v46, v27;
	v48 =	vadd.f32 v29, v28  }
0x192: {  	v25 =	vadd.f32 v43, v32  }
0x193: {  	v50 =	vmul.f32 v24, v24;
	v26 =	vadd.f32 v49, v47;
	v27 =	vadd.f32 v24, v48  }
0x194: {  	v51 =	vadd.f32 v45, v33  }
0x195: {  	v52 =	vmul.f32 v25, v25;
	v26 =	vadd.f32 v50, v26;
	v27 =	vadd.f32 v25, v27;
	_ =	sdelay $0x1  }
0x196: {  	v53 =	vmul.f32 v51, v51;
	v26 =	vadd.f32 v52, v26;
	v27 =	vadd.f32 v51, v27;
	_ =	sdelay $0x1  }
0x197: {  	v26 =	vadd.f32 v53, v26;
	v54 =	vperm.xlane v27, v0;
	_ =	sdelay $0x1  }
0x198: {  	v27 =	vadd.f32 v27, v54;
	v55 =	vperm.xlane v26, v0;
	_ =	sdelay $0x1  }
0x199: {  	v56 =	vperm.xlane v27, v1;
	v26 =	vadd.f32 v55, v26;
	_ =	sdelay $0x1  }
0x19a: {  	v27 =	vadd.f32 v27, v56;
	v28 =	vperm.xlane v26, v1;
	_ =	sdelay $0x1  }
0x19b: {  	v31 =	vperm.xlane v27, v2;
	v26 =	vadd.f32 v28, v26;
	_ =	sdelay $0x1  }
0x19c: {  	v27 =	vadd.f32 v27, v31;
	v28 =	vperm.xlane v26, v2;
	_ =	sdelay $0x1  }
0x19d: {  	v31 =	vperm.xlane v27, v3;
	v26 =	vadd.f32 v28, v26;
	_ =	sdelay $0x1  }
0x19e: {  	v27 =	vadd.f32 v27, v31;
	v28 =	vperm.xlane v26, v3;
	_ =	sdelay $0x1  }
0x19f: {  	v26 =	vadd.f32 v28, v26;
	v27 =	vmul.f32 $7.812500000e-03, v27;
	_ =	sdelay $0x1  }
0x1a0: {  	v26 =	vmul.f32 $7.812500000e-03, v26;
	v57 =	vmul.f32 v27, v27;
	_ =	sdelay $0x1  }
0x1a1: {  	v26 =	vsub.f32 v26, v57;
	_ =	sdelay $0x1  }
0x1a2: {  	v26 =	vmax.f32 v26, $0.0e+00  }
0x1a3: {  	v26 =	vadd.f32 $9.999999960e-13, v26;
	_ =	sdelay $0x1  }
0x1a4: {  	v58 =	vshra.s32 v26, $0x1;
	v26 =	vmul.f32 $5.000000000e-01, v26  }
0x1a5: {  	v28 =	vsub.s32 $0x5F3759DF, v58  }
0x1a6: {  	v59 =	vmul.f32 v28, v26;
	_ =	sdelay $0x1  }
0x1a7: {  	v31 =	vmul.f32 v28, v59;
	_ =	sdelay $0x1  }
0x1a8: {  	v31 =	vsub.f32 $1.500000000e+00, v31;
	_ =	sdelay $0x1  }
0x1a9: {  	v28 =	vmul.f32 v28, v31;
	_ =	sdelay $0x1  }
0x1aa: {  	v31 =	vmul.f32 v28, v26;
	_ =	sdelay $0x1  }
0x1ab: {  	v31 =	vmul.f32 v31, v28;
	_ =	sdelay $0x1  }
0x1ac: {  	v31 =	vsub.f32 $1.500000000e+00, v31;
	_ =	sdelay $0x1  }
0x1ad: {  	v28 =	vmul.f32 v31, v28;
	_ =	sdelay $0x1  }
0x1ae: {  	v26 =	vmul.f32 v28, v26;
	_ =	sdelay $0x1  }
0x1af: {  	v26 =	vmul.f32 v26, v28;
	_ =	sdelay $0x1  }
0x1b0: {  	v26 =	vsub.f32 $1.500000000e+00, v26;
	_ =	sdelay $0x1  }
0x1b1: {  	v26 =	vmul.f32 v26, v28;
	_ =	sdelay $0x1  }
0x1b2: {  	v27 =	vmul.f32 v26, v27;
	v20 =	vmul.f32 v26, v20  }
0x1b3: {  	v23 =	vmul.f32 v26, v23  }
0x1b4: {  	v22 =	vmul.f32 v26, v22;
	v21 =	vmul.f32 v26, v21;
	v20 =	vsub.f32 v20, v27  }
0x1b5: {  	v28 =	vmul.f32 v26, v29;
	v24 =	vmul.f32 v26, v24;
	v23 =	vsub.f32 v23, v27  }
0x1b6: {  	v25 =	vmul.f32 v26, v25;
	v22 =	vsub.f32 v22, v27;
	v20 =	vmul.f32 v20, v4  }
0x1b7: {  	v26 =	vmul.f32 v26, v51;
	v21 =	vsub.f32 v21, v27;
	v23 =	vmul.f32 v23, v5  }
0x1b8: {  	v28 =	vsub.f32 v28, v27;
	v22 =	vmul.f32 v22, v6;
	v20 =	vadd.f32 v20, v12  }
0x1b9: {  	v24 =	vsub.f32 v24, v27;
	v21 =	vmul.f32 v21, v7;
	v23 =	vadd.f32 v23, v13  }
0x1ba: {  	v60 =	vsub.f32 v26, v27;
	v28 =	vmul.f32 v28, v8;
	v22 =	vadd.f32 v22, v14;
	[tilespmem:s1+$0x6600] =	vst v20  }
0x1bb: {  	v24 =	vmul.f32 v24, v9;
	v21 =	vadd.f32 v21, v15;
	v20 =	vsub.f32 v25, v27;
	[tilespmem:s1+$0x6610] =	vst v23  }
0x1bc: {  	s30 =	sadd.s32 $0x1, s30;
	v63 =	vmul.f32 v60, v11;
	v61 =	vadd.f32 v28, v16;
	[tilespmem:s1+$0x6620] =	vst v22  }
0x1bd: {  	p0 =	sne.s32 s30, $0x10;
	v62 =	vadd.f32 v24, v17;
	[tilespmem:s1+$0x6630] =	vst v21;
	v20 =	vmul.f32 v20, v10  }
.Ltmp2:
0x1be: {  	[tilespmem:s1+$0x6640] =	vst v61;
	v21 =	vadd.f32 v63, v19;
	(pc) =	sbr.rel @p0 .LBB2_2-.Ltmp2, $4  }
0x1bf: {  	s2 =	smul.u32 $0xC80, s31;
	[tilespmem:s1+$0x6650] =	vst v62;
	v20 =	vadd.f32 v20, v18  }
0x1c0: {  	[tilespmem:s1+$0x6670] =	vst v21  }
0x1c1: {  	s31 =	sadd.s32 s6, s2;
	[tilespmem:s1+$0x6660] =	vst v20  }
0x1c2: {  	[hbm4b:s31+s7] =	stream.linear.scatter [tilespmem:s21], [sflag:$0x4], $0x6400, $0x38;
	[tilespmem:$0x12F00] =	vst v63  }
0x1c3: {  	s29 =	sadd.s32 $0x1, s29  }
0x1c4: {  	_ =	swait.ge [sflag:s26], $0x6400;
	p0 =	sne.s32 s29, s11  }
.Ltmp3:
0x1c5: {  	[sflag:s26] =	ssyncset.done $0x0;
	(pc) =	sbr.rel @p0 .LBB2_1-.Ltmp3, $4  }
0x1c6: {  	[sflag:s26] =	ssyncadd.s32 $0xFFFF9C00  }
0x1c7: {  	_ =	swait.ge [sflag:s28], $0x6400  }
0x1c8: {  	[sflag:s28] =	ssyncset.done $0x0  }
0x1c9: {  	[sflag:s28] =	ssyncadd.s32 $0xFFFF9C00  }
0x1ca: {  	_ =	sfence.sel $0x180000  }
0x1cb: {  	[bflag:$0x0] =	sbarrier.arrive $0xFFFF  }
0x1cc: {  	_ =	strace $0x90000047  }
0x1cd: {  	s0 =	stileid.u32;
	[bflag:$0x2] =	sbarrier.arrive $0xFFFF  }
0x1ce: {  	p0 =	sne.s32 s0, $0x0;
	s0 =	rddreg [dreg:$0x6]  }
0x1cf: {  	s0 =	sadd.s32 @!p0 $0x100000, s0  }
0x1d0: {  	[sflag:s0] =	ssyncadd.tile.s32 @!p0 $0x1;
	_ =	shalt  }
.Lfunc_end2:
_tile_overlayer_lowered:
.L_overlay_start_2:
0x1d1: {  	(tag) =	ssettag $0x2  }
0x1d2: {  	s0 =	rddreg [dreg:$0x0];
	s2 =	stileid.u32  }
0x1d3: {  	s1 =	rddreg [dreg:$0x1];
	p0 =	sne.s32 s2, $0x0  }
0x1d4: {  	s3 =	rddreg [dreg:$0x2];
	[bflag:$0x3] =	sbarrier.arrive $0xFFFF;
	s2 =	simm.s32 @!p0 $0x1C05  }
0x1d5: {  	[timem:s3], [sflag:s2] =	dma.local @!p0 [hbm:s0], s1  }
0x1d6: {  	s0 =	simm.s32 @!p0 $0x5  }
0x1d7: {  	_ =	swait.ge @!p0 [sflag:s0], s1  }
0x1d8: {  	s1 =	ssub.s32 @!p0 $0x0, s1;
	[sflag:s0] =	ssyncset.done @!p0 $0x0  }
0x1d9: {  	[sflag:s0] =	ssyncadd.s32 @!p0 s1  }
0x1da: {  	[bflag:$0x3] =	sbarrier.arrive $0xFFFF  }
0x1db: {  	_ =	shalt  }

</sc_bundles>
